<compile_context>
chip_gen: v7x
topology: tpu7x:2x2x1
jax: 0.10.2.dev20260603
libtpu: 0.0.44.dev20260713+nightly
codegen_flags: <defaults>
</compile_context>

<pallas_src>
import functools

import jax
import jax.numpy as jnp
from jax import lax
from jax.experimental import pallas as pl
from jax.experimental.pallas import tpu as pltpu
from jax.experimental.pallas import tpu_sc as plsc

N_NODES = 10000
N_EDGES = 160000
D = 256
H = 128
NC = 2
NS = 16
NPASS = 2
PR = 5120
AR = PR + 8 * NS
EPT = N_EDGES // NS
CH = 80
NCH = EPT // CH
RPT = PR // NS
ZROWS = 160


def _agg_body(x2_hbm, src2_hbm, dstp_hbm, out_hbm,
              src_idx_v, dst_idx_v, rows_v, zbuf_v, agg_sh, sem):
    c = lax.axis_index("c")
    s = lax.axis_index("s")

    def zrow(i, _):
        for j in range(H // 16):
            zbuf_v[i, pl.ds(16 * j, 16)] = jnp.zeros((16,), jnp.float32)
        return _
    lax.fori_loop(0, ZROWS, zrow, None)

    for p in range(NPASS):
        for z in range(RPT // ZROWS):
            pltpu.sync_copy(zbuf_v,
                            agg_sh.at[pl.ds(s * RPT + z * ZROWS, ZROWS)])
        plsc.subcore_barrier()

        pltpu.sync_copy(src2_hbm.at[p, c, s], src_idx_v)
        pltpu.sync_copy(dstp_hbm.at[p, s], dst_idx_v)

        def chunk(j, _):
            pltpu.async_copy(x2_hbm.at[src_idx_v.at[j]], rows_v, sem).wait()
            pltpu.sync_copy(rows_v, agg_sh.at[dst_idx_v.at[j]], add=True)
            return _
        lax.fori_loop(0, NCH, chunk, None)

        plsc.subcore_barrier()
        pltpu.sync_copy(agg_sh.at[pl.ds(s * RPT, RPT)],
                        out_hbm.at[c, p, pl.ds(s * RPT, RPT)])


@functools.cache
def _agg():
    return pl.kernel(
        _agg_body,
        out_type=jax.ShapeDtypeStruct((NC, NPASS, PR, H), jnp.float32),
        mesh=plsc.VectorSubcoreMesh(core_axis_name="c", subcore_axis_name="s",
                                    num_cores=NC, num_subcores=NS),
        scratch_types=[
            pltpu.VMEM((NCH, CH), jnp.int32),
            pltpu.VMEM((NCH, CH), jnp.int32),
            pltpu.VMEM((CH, H), jnp.float32),
            pltpu.VMEM((ZROWS, H), jnp.float32),
            pltpu.VMEM_SHARED((AR, H), jnp.float32),
            pltpu.SemaphoreType.DMA,
        ],
    )


BM = 1000


def _mlp_body(x_ref, al_ref, ar_ref, w1_ref, b1_ref, w2_ref, b2_ref, o_ref):
    h = x_ref[...] + jnp.concatenate([al_ref[0], ar_ref[0]], axis=-1)
    t = jnp.dot(h, w1_ref[...], preferred_element_type=jnp.float32)
    t = jnp.maximum(t + b1_ref[...], 0.0)
    o = jnp.dot(t, w2_ref[...], preferred_element_type=jnp.float32)
    o_ref[...] = o + b2_ref[...]


def _mlp(x, agg2, W1, b1, W2, b2):
    return pl.pallas_call(
        _mlp_body,
        grid=(N_NODES // BM,),
        in_specs=[
            pl.BlockSpec((BM, D), lambda i: (i, 0)),
            pl.BlockSpec((1, BM, H), lambda i: (0, i, 0)),
            pl.BlockSpec((1, BM, H), lambda i: (1, i, 0)),
            pl.BlockSpec((D, D), lambda i: (0, 0)),
            pl.BlockSpec((1, D), lambda i: (0, 0)),
            pl.BlockSpec((D, D), lambda i: (0, 0)),
            pl.BlockSpec((1, D), lambda i: (0, 0)),
        ],
        out_specs=pl.BlockSpec((BM, D), lambda i: (i, 0)),
        out_shape=jax.ShapeDtypeStruct((N_NODES, D), jnp.float32),
    )(x, agg2, agg2, W1, b1, W2, b2)


def kernel(x, edge_index, W1, b1, W2, b2):
    src = edge_index[0].astype(jnp.int32)
    dst = edge_index[1].astype(jnp.int32)
    x2 = x.reshape(2 * N_NODES, H)
    tile_trash = PR + 8 * (jnp.arange(N_EDGES, dtype=jnp.int32) // EPT)
    srcs, dsts = [], []
    for p in range(NPASS):
        in_range = (dst >= p * PR) & (dst < (p + 1) * PR)
        dsts.append(jnp.where(in_range, dst - p * PR, tile_trash))
        sp = jnp.where(in_range, 2 * src, 0)
        srcs.append(jnp.stack([sp, sp + 1]))
    src2 = jnp.stack(srcs).reshape(NPASS, NC, NS, NCH, CH)
    dstp = jnp.stack(dsts).reshape(NPASS, NS, NCH, CH)
    agg2 = _agg()(x2, src2, dstp).reshape(NC, NPASS * PR, H)
    return _mlp(x, agg2, W1, b1.reshape(1, D), W2, b2.reshape(1, D))

# --- scband reference (transcript-rebuilt; emitter-appended) ---
"""Pipeline reference for scband-ginlayer-18382460027187 (READ-ONLY COPY).

The authoritative reference and input builder live on the scoring server;
editing this copy changes nothing except your own understanding.
"""

import jax, jax.numpy as jnp
import numpy as np

N_NODES = 10000
N_EDGES = 160000
D_IN = 256
D_OUT = 256

def setup_inputs(seed: int = 0) -> dict:
    key = jax.random.key(seed)
    k_x, k_ei, k_w1, k_b1, k_w2, k_b2 = jax.random.split(key, 6)
    x = jax.random.normal(k_x, (N_NODES, D_IN), dtype=jnp.float32)
    edge_index = jax.random.randint(k_ei, (2, N_EDGES), 0, N_NODES, dtype=jnp.int64)
    # MLP params: Linear(in_dim, out_dim) -> ReLU -> Linear(out_dim, out_dim)
    lim1 = 1.0 / np.sqrt(D_IN)
    lim2 = 1.0 / np.sqrt(D_OUT)
    W1 = jax.random.uniform(k_w1, (D_IN, D_OUT), minval=-lim1, maxval=lim1, dtype=jnp.float32)
    b1 = jax.random.uniform(k_b1, (D_OUT,), minval=-lim1, maxval=lim1, dtype=jnp.float32)
    W2 = jax.random.uniform(k_w2, (D_OUT, D_OUT), minval=-lim2, maxval=lim2, dtype=jnp.float32)
    b2 = jax.random.uniform(k_b2, (D_OUT,), minval=-lim2, maxval=lim2, dtype=jnp.float32)
    return {"x": x, "edge_index": edge_index, "W1": W1, "b1": b1, "W2": W2, "b2": b2}

def reference(x, edge_index, W1, b1, W2, b2):
    # GINConv (PyG, default eps=0.0, train_eps=False):
    #   out = MLP((1 + eps) * x + sum_{j in N(i)} x_j)
    src = edge_index[0]
    dst = edge_index[1]
    msgs = jnp.take(x, src, axis=0)                 # gather messages from source nodes
    agg = jnp.zeros_like(x).at[dst].add(msgs)       # scatter-add to destination nodes
    eps = 0.0
    h = (1.0 + eps) * x + agg
    h = jnp.dot(h, W1) + b1
    h = jax.nn.relu(h)
    out = jnp.dot(h, W2) + b2
    return out

if __name__ == "__main__":
    import jax
    _d = setup_inputs()
    print(jax.jit(kernel)(*tuple(_d.values())))

</pallas_src>

<mosaic_0001>
#map = affine_map<(d0, d1) -> (0, 0)>
#map1 = affine_map<(d0, d1) -> (0, 0, 0, 0, 0)>
#map2 = affine_map<(d0, d1) -> (0, 0, 0, 0)>
module attributes {stable_mosaic.version = 14 : i64} {
  func.func @_agg_body(%arg0: i32, %arg1: i32, %arg2: memref<20000x128xf32, #tpu.memory_space<hbm>>, %arg3: memref<2x2x16x125x80xi32, #tpu.memory_space<hbm>>, %arg4: memref<2x16x125x80xi32, #tpu.memory_space<hbm>>, %arg5: memref<2x2x5120x128xf32, #tpu.memory_space<hbm>>, %arg6: memref<125x80xi32, #tpu.memory_space<vmem>>, %arg7: memref<125x80xi32, #tpu.memory_space<vmem>>, %arg8: memref<80x128xf32, #tpu.memory_space<vmem>>, %arg9: memref<160x128xf32, #tpu.memory_space<vmem>>, %arg10: memref<5248x128xf32, #tpu.memory_space<vmem_shared>>, %arg11: memref<!tpu.dma_semaphore, #tpu.memory_space<semaphore_mem>>) attributes {dimension_semantics = [#tpu.dimension_semantics<core_parallel>, #tpu.dimension_semantics<subcore_parallel>], iteration_bounds = array<i64: 2, 16>, scalar_prefetch = 0 : i64, scratch_operands = 6 : i64, tpu.core_type = #tpu.core_type<sc_vector_subcore>, window_params = [{transform_indices = #map}, {transform_indices = #map1}, {transform_indices = #map2}, {transform_indices = #map2}]} {
    %scan3A = arith.constant 0 : i32
    %scan3A_0 = arith.constant 160 : i32
    %scan3A_1 = arith.addi %scan3A, %scan3A_0 : i32
    %scan3A_2 = arith.constant 1 : i32
    scf.for %scan3A_44 = %scan3A to %scan3A_1 step %scan3A_2  : i32 {
      %broadcast_in_dim3A = arith.constant 0.000000e+00 : f32
      %broadcast_in_dim3A_45 = vector.broadcast %broadcast_in_dim3A : f32 to vector<16xf32>
      %swap3A = arith.index_cast %scan3A_44 : i32 to index
      %swap3A_46 = arith.constant 0 : index
      %swap3A_47 = tpu.vector_load %arg9[%swap3A, %swap3A_46] {strides = array<i32>} : memref<160x128xf32, #tpu.memory_space<vmem>>, vector<1x16xf32>,
      %swap3A_48 = vector.shape_cast %swap3A_47 : vector<1x16xf32> to vector<16xf32>
      %swap3A_49 = vector.shape_cast %broadcast_in_dim3A_45 : vector<16xf32> to vector<1x16xf32>
      tpu.vector_store %arg9[%swap3A, %swap3A_46], %swap3A_49 {strides = array<i32>} : memref<160x128xf32, #tpu.memory_space<vmem>>, vector<1x16xf32>,
      %broadcast_in_dim3A_50 = arith.constant 0.000000e+00 : f32
      %broadcast_in_dim3A_51 = vector.broadcast %broadcast_in_dim3A_50 : f32 to vector<16xf32>
      %swap3A_52 = arith.index_cast %scan3A_44 : i32 to index
      %swap3A_53 = arith.constant 16 : index
      %swap3A_54 = tpu.vector_load %arg9[%swap3A_52, %swap3A_53] {strides = array<i32>} : memref<160x128xf32, #tpu.memory_space<vmem>>, vector<1x16xf32>,
      %swap3A_55 = vector.shape_cast %swap3A_54 : vector<1x16xf32> to vector<16xf32>
      %swap3A_56 = vector.shape_cast %broadcast_in_dim3A_51 : vector<16xf32> to vector<1x16xf32>
      tpu.vector_store %arg9[%swap3A_52, %swap3A_53], %swap3A_56 {strides = array<i32>} : memref<160x128xf32, #tpu.memory_space<vmem>>, vector<1x16xf32>,
      %broadcast_in_dim3A_57 = arith.constant 0.000000e+00 : f32
      %broadcast_in_dim3A_58 = vector.broadcast %broadcast_in_dim3A_57 : f32 to vector<16xf32>
      %swap3A_59 = arith.index_cast %scan3A_44 : i32 to index
      %swap3A_60 = arith.constant 32 : index
      %swap3A_61 = tpu.vector_load %arg9[%swap3A_59, %swap3A_60] {strides = array<i32>} : memref<160x128xf32, #tpu.memory_space<vmem>>, vector<1x16xf32>,
      %swap3A_62 = vector.shape_cast %swap3A_61 : vector<1x16xf32> to vector<16xf32>
      %swap3A_63 = vector.shape_cast %broadcast_in_dim3A_58 : vector<16xf32> to vector<1x16xf32>
      tpu.vector_store %arg9[%swap3A_59, %swap3A_60], %swap3A_63 {strides = array<i32>} : memref<160x128xf32, #tpu.memory_space<vmem>>, vector<1x16xf32>,
      %broadcast_in_dim3A_64 = arith.constant 0.000000e+00 : f32
      %broadcast_in_dim3A_65 = vector.broadcast %broadcast_in_dim3A_64 : f32 to vector<16xf32>
      %swap3A_66 = arith.index_cast %scan3A_44 : i32 to index
      %swap3A_67 = arith.constant 48 : index
      %swap3A_68 = tpu.vector_load %arg9[%swap3A_66, %swap3A_67] {strides = array<i32>} : memref<160x128xf32, #tpu.memory_space<vmem>>, vector<1x16xf32>,
      %swap3A_69 = vector.shape_cast %swap3A_68 : vector<1x16xf32> to vector<16xf32>
      %swap3A_70 = vector.shape_cast %broadcast_in_dim3A_65 : vector<16xf32> to vector<1x16xf32>
      tpu.vector_store %arg9[%swap3A_66, %swap3A_67], %swap3A_70 {strides = array<i32>} : memref<160x128xf32, #tpu.memory_space<vmem>>, vector<1x16xf32>,
      %broadcast_in_dim3A_71 = arith.constant 0.000000e+00 : f32
      %broadcast_in_dim3A_72 = vector.broadcast %broadcast_in_dim3A_71 : f32 to vector<16xf32>
      %swap3A_73 = arith.index_cast %scan3A_44 : i32 to index
      %swap3A_74 = arith.constant 64 : index
      %swap3A_75 = tpu.vector_load %arg9[%swap3A_73, %swap3A_74] {strides = array<i32>} : memref<160x128xf32, #tpu.memory_space<vmem>>, vector<1x16xf32>,
      %swap3A_76 = vector.shape_cast %swap3A_75 : vector<1x16xf32> to vector<16xf32>
      %swap3A_77 = vector.shape_cast %broadcast_in_dim3A_72 : vector<16xf32> to vector<1x16xf32>
      tpu.vector_store %arg9[%swap3A_73, %swap3A_74], %swap3A_77 {strides = array<i32>} : memref<160x128xf32, #tpu.memory_space<vmem>>, vector<1x16xf32>,
      %broadcast_in_dim3A_78 = arith.constant 0.000000e+00 : f32
      %broadcast_in_dim3A_79 = vector.broadcast %broadcast_in_dim3A_78 : f32 to vector<16xf32>
      %swap3A_80 = arith.index_cast %scan3A_44 : i32 to index
      %swap3A_81 = arith.constant 80 : index
      %swap3A_82 = tpu.vector_load %arg9[%swap3A_80, %swap3A_81] {strides = array<i32>} : memref<160x128xf32, #tpu.memory_space<vmem>>, vector<1x16xf32>,
      %swap3A_83 = vector.shape_cast %swap3A_82 : vector<1x16xf32> to vector<16xf32>
      %swap3A_84 = vector.shape_cast %broadcast_in_dim3A_79 : vector<16xf32> to vector<1x16xf32>
      tpu.vector_store %arg9[%swap3A_80, %swap3A_81], %swap3A_84 {strides = array<i32>} : memref<160x128xf32, #tpu.memory_space<vmem>>, vector<1x16xf32>,
      %broadcast_in_dim3A_85 = arith.constant 0.000000e+00 : f32
      %broadcast_in_dim3A_86 = vector.broadcast %broadcast_in_dim3A_85 : f32 to vector<16xf32>
      %swap3A_87 = arith.index_cast %scan3A_44 : i32 to index
      %swap3A_88 = arith.constant 96 : index
      %swap3A_89 = tpu.vector_load %arg9[%swap3A_87, %swap3A_88] {strides = array<i32>} : memref<160x128xf32, #tpu.memory_space<vmem>>, vector<1x16xf32>,
      %swap3A_90 = vector.shape_cast %swap3A_89 : vector<1x16xf32> to vector<16xf32>
      %swap3A_91 = vector.shape_cast %broadcast_in_dim3A_86 : vector<16xf32> to vector<1x16xf32>
      tpu.vector_store %arg9[%swap3A_87, %swap3A_88], %swap3A_91 {strides = array<i32>} : memref<160x128xf32, #tpu.memory_space<vmem>>, vector<1x16xf32>,
      %broadcast_in_dim3A_92 = arith.constant 0.000000e+00 : f32
      %broadcast_in_dim3A_93 = vector.broadcast %broadcast_in_dim3A_92 : f32 to vector<16xf32>
      %swap3A_94 = arith.index_cast %scan3A_44 : i32 to index
      %swap3A_95 = arith.constant 112 : index
      %swap3A_96 = tpu.vector_load %arg9[%swap3A_94, %swap3A_95] {strides = array<i32>} : memref<160x128xf32, #tpu.memory_space<vmem>>, vector<1x16xf32>,
      %swap3A_97 = vector.shape_cast %swap3A_96 : vector<1x16xf32> to vector<16xf32>
      %swap3A_98 = vector.shape_cast %broadcast_in_dim3A_93 : vector<16xf32> to vector<1x16xf32>
      tpu.vector_store %arg9[%swap3A_94, %swap3A_95], %swap3A_98 {strides = array<i32>} : memref<160x128xf32, #tpu.memory_space<vmem>>, vector<1x16xf32>,
    }
    %scan3A_3 = arith.constant 160 : i32
    %mul3A = arith.constant 320 : i32
    %mul3A_4 = arith.muli %arg1, %mul3A : i32
    %add3A = arith.constant 0 : i32
    %add3A_5 = arith.addi %mul3A_4, %add3A : i32
    "tpu.region"() ({
      %run_scoped3A_44 = tpu.sem_alloc : memref<!tpu.dma_semaphore, #tpu.memory_space<semaphore_mem>>
      %dma_start3A = arith.constant 0 : i32
      %dma_start3A_45 = tpu.memref_slice %arg10[%add3A_5, %dma_start3A] : memref<5248x128xf32, #tpu.memory_space<vmem_shared>> -> memref<160x128xf32, #tpu.memory_space<vmem_shared>>
      %dma_start3A_46 = arith.constant 0 : i32
      %dma_start3A_47 = tpu.memref_slice %arg10[%add3A_5, %dma_start3A_46] : memref<5248x128xf32, #tpu.memory_space<vmem_shared>> -> memref<160x128xf32, #tpu.memory_space<vmem_shared>>
      tpu.enqueue_dma source(%arg9 : memref<160x128xf32, #tpu.memory_space<vmem>>) target(%dma_start3A_47 : memref<160x128xf32, #tpu.memory_space<vmem_shared>>) target_semaphore(%run_scoped3A_44 : memref<!tpu.dma_semaphore, #tpu.memory_space<semaphore_mem>>)
      %dma_wait3A = arith.constant 0 : i32
      %dma_wait3A_48 = tpu.memref_slice %arg10[%add3A_5, %dma_wait3A] : memref<5248x128xf32, #tpu.memory_space<vmem_shared>> -> memref<160x128xf32, #tpu.memory_space<vmem_shared>>
      %dma_wait3A_49 = arith.constant 0 : i32
      %dma_wait3A_50 = tpu.memref_slice %arg10[%add3A_5, %dma_wait3A_49] : memref<5248x128xf32, #tpu.memory_space<vmem_shared>> -> memref<160x128xf32, #tpu.memory_space<vmem_shared>>
      tpu.wait_dma2 semaphore(%run_scoped3A_44 : memref<!tpu.dma_semaphore, #tpu.memory_space<semaphore_mem>>) src(%arg9 : memref<160x128xf32, #tpu.memory_space<vmem>>) dst(%dma_wait3A_50 : memref<160x128xf32, #tpu.memory_space<vmem_shared>>)
      tpu.yield
    }) : () -> ()
    %mul3A_6 = arith.constant 320 : i32
    %mul3A_7 = arith.muli %arg1, %mul3A_6 : i32
    %add3A_8 = arith.constant 160 : i32
    %add3A_9 = arith.addi %mul3A_7, %add3A_8 : i32
    "tpu.region"() ({
      %run_scoped3A_44 = tpu.sem_alloc : memref<!tpu.dma_semaphore, #tpu.memory_space<semaphore_mem>>
      %dma_start3A = arith.constant 0 : i32
      %dma_start3A_45 = tpu.memref_slice %arg10[%add3A_9, %dma_start3A] : memref<5248x128xf32, #tpu.memory_space<vmem_shared>> -> memref<160x128xf32, #tpu.memory_space<vmem_shared>>
      %dma_start3A_46 = arith.constant 0 : i32
      %dma_start3A_47 = tpu.memref_slice %arg10[%add3A_9, %dma_start3A_46] : memref<5248x128xf32, #tpu.memory_space<vmem_shared>> -> memref<160x128xf32, #tpu.memory_space<vmem_shared>>
      tpu.enqueue_dma source(%arg9 : memref<160x128xf32, #tpu.memory_space<vmem>>) target(%dma_start3A_47 : memref<160x128xf32, #tpu.memory_space<vmem_shared>>) target_semaphore(%run_scoped3A_44 : memref<!tpu.dma_semaphore, #tpu.memory_space<semaphore_mem>>)
      %dma_wait3A = arith.constant 0 : i32
      %dma_wait3A_48 = tpu.memref_slice %arg10[%add3A_9, %dma_wait3A] : memref<5248x128xf32, #tpu.memory_space<vmem_shared>> -> memref<160x128xf32, #tpu.memory_space<vmem_shared>>
      %dma_wait3A_49 = arith.constant 0 : i32
      %dma_wait3A_50 = tpu.memref_slice %arg10[%add3A_9, %dma_wait3A_49] : memref<5248x128xf32, #tpu.memory_space<vmem_shared>> -> memref<160x128xf32, #tpu.memory_space<vmem_shared>>
      tpu.wait_dma2 semaphore(%run_scoped3A_44 : memref<!tpu.dma_semaphore, #tpu.memory_space<semaphore_mem>>) src(%arg9 : memref<160x128xf32, #tpu.memory_space<vmem>>) dst(%dma_wait3A_50 : memref<160x128xf32, #tpu.memory_space<vmem_shared>>)
      tpu.yield
    }) : () -> ()
    %barrier3A = arith.constant 0 : index
    tpu.barrier barrier_id(%barrier3A)
    %run_scoped3A = arith.constant 0 : i32
    "tpu.region"() ({
      %run_scoped3A_44 = tpu.sem_alloc : memref<!tpu.dma_semaphore, #tpu.memory_space<semaphore_mem>>
      %dma_start3A = arith.constant 0 : i32
      %dma_start3A_45 = arith.constant 0 : i32
      %dma_start3A_46 = tpu.memref_slice %arg3[%run_scoped3A, %arg0, %arg1, %dma_start3A, %dma_start3A_45] : memref<2x2x16x125x80xi32, #tpu.memory_space<hbm>> -> memref<1x1x1x125x80xi32, #tpu.memory_space<hbm>>
      %dma_start3A_47 = tpu.memref_squeeze %dma_start3A_46 : memref<1x1x1x125x80xi32, #tpu.memory_space<hbm>> -> memref<125x80xi32, #tpu.memory_space<hbm>>
      %dma_start3A_48 = arith.constant 0 : i32
      %dma_start3A_49 = arith.constant 0 : i32
      %dma_start3A_50 = tpu.memref_slice %arg3[%run_scoped3A, %arg0, %arg1, %dma_start3A_48, %dma_start3A_49] : memref<2x2x16x125x80xi32, #tpu.memory_space<hbm>> -> memref<1x1x1x125x80xi32, #tpu.memory_space<hbm>>
      %dma_start3A_51 = tpu.memref_squeeze %dma_start3A_50 : memref<1x1x1x125x80xi32, #tpu.memory_space<hbm>> -> memref<125x80xi32, #tpu.memory_space<hbm>>
      tpu.enqueue_dma source(%dma_start3A_51 : memref<125x80xi32, #tpu.memory_space<hbm>>) target(%arg6 : memref<125x80xi32, #tpu.memory_space<vmem>>) target_semaphore(%run_scoped3A_44 : memref<!tpu.dma_semaphore, #tpu.memory_space<semaphore_mem>>)
      %dma_wait3A = arith.constant 0 : i32
      %dma_wait3A_52 = arith.constant 0 : i32
      %dma_wait3A_53 = tpu.memref_slice %arg3[%run_scoped3A, %arg0, %arg1, %dma_wait3A, %dma_wait3A_52] : memref<2x2x16x125x80xi32, #tpu.memory_space<hbm>> -> memref<1x1x1x125x80xi32, #tpu.memory_space<hbm>>
      %dma_wait3A_54 = tpu.memref_squeeze %dma_wait3A_53 : memref<1x1x1x125x80xi32, #tpu.memory_space<hbm>> -> memref<125x80xi32, #tpu.memory_space<hbm>>
      %dma_wait3A_55 = arith.constant 0 : i32
      %dma_wait3A_56 = arith.constant 0 : i32
      %dma_wait3A_57 = tpu.memref_slice %arg3[%run_scoped3A, %arg0, %arg1, %dma_wait3A_55, %dma_wait3A_56] : memref<2x2x16x125x80xi32, #tpu.memory_space<hbm>> -> memref<1x1x1x125x80xi32, #tpu.memory_space<hbm>>
      %dma_wait3A_58 = tpu.memref_squeeze %dma_wait3A_57 : memref<1x1x1x125x80xi32, #tpu.memory_space<hbm>> -> memref<125x80xi32, #tpu.memory_space<hbm>>
      tpu.wait_dma2 semaphore(%run_scoped3A_44 : memref<!tpu.dma_semaphore, #tpu.memory_space<semaphore_mem>>) src(%dma_wait3A_58 : memref<125x80xi32, #tpu.memory_space<hbm>>) dst(%arg6 : memref<125x80xi32, #tpu.memory_space<vmem>>)
      tpu.yield
    }) : () -> ()
    %run_scoped3A_10 = arith.constant 0 : i32
    "tpu.region"() ({
      %run_scoped3A_44 = tpu.sem_alloc : memref<!tpu.dma_semaphore, #tpu.memory_space<semaphore_mem>>
      %dma_start3A = arith.constant 0 : i32
      %dma_start3A_45 = arith.constant 0 : i32
      %dma_start3A_46 = tpu.memref_slice %arg4[%run_scoped3A_10, %arg1, %dma_start3A, %dma_start3A_45] : memref<2x16x125x80xi32, #tpu.memory_space<hbm>> -> memref<1x1x125x80xi32, #tpu.memory_space<hbm>>
      %dma_start3A_47 = tpu.memref_squeeze %dma_start3A_46 : memref<1x1x125x80xi32, #tpu.memory_space<hbm>> -> memref<125x80xi32, #tpu.memory_space<hbm>>
      %dma_start3A_48 = arith.constant 0 : i32
      %dma_start3A_49 = arith.constant 0 : i32
      %dma_start3A_50 = tpu.memref_slice %arg4[%run_scoped3A_10, %arg1, %dma_start3A_48, %dma_start3A_49] : memref<2x16x125x80xi32, #tpu.memory_space<hbm>> -> memref<1x1x125x80xi32, #tpu.memory_space<hbm>>
      %dma_start3A_51 = tpu.memref_squeeze %dma_start3A_50 : memref<1x1x125x80xi32, #tpu.memory_space<hbm>> -> memref<125x80xi32, #tpu.memory_space<hbm>>
      tpu.enqueue_dma source(%dma_start3A_51 : memref<125x80xi32, #tpu.memory_space<hbm>>) target(%arg7 : memref<125x80xi32, #tpu.memory_space<vmem>>) target_semaphore(%run_scoped3A_44 : memref<!tpu.dma_semaphore, #tpu.memory_space<semaphore_mem>>)
      %dma_wait3A = arith.constant 0 : i32
      %dma_wait3A_52 = arith.constant 0 : i32
      %dma_wait3A_53 = tpu.memref_slice %arg4[%run_scoped3A_10, %arg1, %dma_wait3A, %dma_wait3A_52] : memref<2x16x125x80xi32, #tpu.memory_space<hbm>> -> memref<1x1x125x80xi32, #tpu.memory_space<hbm>>
      %dma_wait3A_54 = tpu.memref_squeeze %dma_wait3A_53 : memref<1x1x125x80xi32, #tpu.memory_space<hbm>> -> memref<125x80xi32, #tpu.memory_space<hbm>>
      %dma_wait3A_55 = arith.constant 0 : i32
      %dma_wait3A_56 = arith.constant 0 : i32
      %dma_wait3A_57 = tpu.memref_slice %arg4[%run_scoped3A_10, %arg1, %dma_wait3A_55, %dma_wait3A_56] : memref<2x16x125x80xi32, #tpu.memory_space<hbm>> -> memref<1x1x125x80xi32, #tpu.memory_space<hbm>>
      %dma_wait3A_58 = tpu.memref_squeeze %dma_wait3A_57 : memref<1x1x125x80xi32, #tpu.memory_space<hbm>> -> memref<125x80xi32, #tpu.memory_space<hbm>>
      tpu.wait_dma2 semaphore(%run_scoped3A_44 : memref<!tpu.dma_semaphore, #tpu.memory_space<semaphore_mem>>) src(%dma_wait3A_58 : memref<125x80xi32, #tpu.memory_space<hbm>>) dst(%arg7 : memref<125x80xi32, #tpu.memory_space<vmem>>)
      tpu.yield
    }) : () -> ()
    %scan3A_11 = arith.constant 0 : i32
    %scan3A_12 = arith.constant 125 : i32
    %scan3A_13 = arith.addi %scan3A_11, %scan3A_12 : i32
    %scan3A_14 = arith.constant 1 : i32
    scf.for %scan3A_44 = %scan3A_11 to %scan3A_13 step %scan3A_14  : i32 {
      %dma_start3A = arith.constant 0 : i32
      %dma_start3A_45 = tpu.memref_slice %arg6[%scan3A_44, %dma_start3A] : memref<125x80xi32, #tpu.memory_space<vmem>> -> memref<1x80xi32, #tpu.memory_space<vmem>>
      %dma_start3A_46 = tpu.memref_squeeze %dma_start3A_45 : memref<1x80xi32, #tpu.memory_space<vmem>> -> memref<80xi32, #tpu.memory_space<vmem>>
      %dma_start3A_47 = arith.constant 0 : i32
      %dma_start3A_48 = arith.constant 0 : i32
      %dma_start3A_49 = tpu.memref_slice %arg2[%dma_start3A_47, %dma_start3A_48] : memref<20000x128xf32, #tpu.memory_space<hbm>> -> memref<20000x128xf32, #tpu.memory_space<hbm>>
      tpu.enqueue_indirect_dma source(%dma_start3A_49 : memref<20000x128xf32, #tpu.memory_space<hbm>>) target(%arg8 : memref<80x128xf32, #tpu.memory_space<vmem>>) offsets(%dma_start3A_46 : memref<80xi32, #tpu.memory_space<vmem>>) semaphore(%arg11 : memref<!tpu.dma_semaphore, #tpu.memory_space<semaphore_mem>>)
      %dma_wait3A = arith.constant 0 : i32
      %dma_wait3A_50 = tpu.memref_slice %arg6[%scan3A_44, %dma_wait3A] : memref<125x80xi32, #tpu.memory_space<vmem>> -> memref<1x80xi32, #tpu.memory_space<vmem>>
      %dma_wait3A_51 = tpu.memref_squeeze %dma_wait3A_50 : memref<1x80xi32, #tpu.memory_space<vmem>> -> memref<80xi32, #tpu.memory_space<vmem>>
      %dma_wait3A_52 = arith.constant 0 : i32
      %dma_wait3A_53 = arith.constant 0 : i32
      %dma_wait3A_54 = tpu.memref_slice %arg2[%dma_wait3A_52, %dma_wait3A_53] : memref<20000x128xf32, #tpu.memory_space<hbm>> -> memref<20000x128xf32, #tpu.memory_space<hbm>>
      tpu.wait_indirect_dma semaphore(%arg11 : memref<!tpu.dma_semaphore, #tpu.memory_space<semaphore_mem>>) src(%dma_wait3A_54 : memref<20000x128xf32, #tpu.memory_space<hbm>>) dst(%arg8 : memref<80x128xf32, #tpu.memory_space<vmem>>)
      "tpu.region"() ({
        %run_scoped3A_55 = tpu.sem_alloc : memref<!tpu.dma_semaphore, #tpu.memory_space<semaphore_mem>>
        %dma_start3A_56 = arith.constant 0 : i32
        %dma_start3A_57 = tpu.memref_slice %arg7[%scan3A_44, %dma_start3A_56] : memref<125x80xi32, #tpu.memory_space<vmem>> -> memref<1x80xi32, #tpu.memory_space<vmem>>
        %dma_start3A_58 = tpu.memref_squeeze %dma_start3A_57 : memref<1x80xi32, #tpu.memory_space<vmem>> -> memref<80xi32, #tpu.memory_space<vmem>>
        %dma_start3A_59 = arith.constant 0 : i32
        %dma_start3A_60 = arith.constant 0 : i32
        %dma_start3A_61 = tpu.memref_slice %arg10[%dma_start3A_59, %dma_start3A_60] : memref<5248x128xf32, #tpu.memory_space<vmem_shared>> -> memref<5248x128xf32, #tpu.memory_space<vmem_shared>>
        tpu.enqueue_indirect_dma source(%arg8 : memref<80x128xf32, #tpu.memory_space<vmem>>) target(%dma_start3A_61 : memref<5248x128xf32, #tpu.memory_space<vmem_shared>>) offsets(%dma_start3A_58 : memref<80xi32, #tpu.memory_space<vmem>>) semaphore(%run_scoped3A_55 : memref<!tpu.dma_semaphore, #tpu.memory_space<semaphore_mem>>) {add = true}
        %dma_wait3A_62 = arith.constant 0 : i32
        %dma_wait3A_63 = tpu.memref_slice %arg7[%scan3A_44, %dma_wait3A_62] : memref<125x80xi32, #tpu.memory_space<vmem>> -> memref<1x80xi32, #tpu.memory_space<vmem>>
        %dma_wait3A_64 = tpu.memref_squeeze %dma_wait3A_63 : memref<1x80xi32, #tpu.memory_space<vmem>> -> memref<80xi32, #tpu.memory_space<vmem>>
        %dma_wait3A_65 = arith.constant 0 : i32
        %dma_wait3A_66 = arith.constant 0 : i32
        %dma_wait3A_67 = tpu.memref_slice %arg10[%dma_wait3A_65, %dma_wait3A_66] : memref<5248x128xf32, #tpu.memory_space<vmem_shared>> -> memref<5248x128xf32, #tpu.memory_space<vmem_shared>>
        tpu.wait_indirect_dma semaphore(%run_scoped3A_55 : memref<!tpu.dma_semaphore, #tpu.memory_space<semaphore_mem>>) src(%arg8 : memref<80x128xf32, #tpu.memory_space<vmem>>) dst(%dma_wait3A_67 : memref<5248x128xf32, #tpu.memory_space<vmem_shared>>)
        tpu.yield
      }) : () -> ()
    }
    %scan3A_15 = arith.constant 125 : i32
    %barrier3A_16 = arith.constant 0 : index
    tpu.barrier barrier_id(%barrier3A_16)
    %mul3A_17 = arith.constant 320 : i32
    %mul3A_18 = arith.muli %arg1, %mul3A_17 : i32
    %mul3A_19 = arith.constant 320 : i32
    %mul3A_20 = arith.muli %arg1, %mul3A_19 : i32
    %run_scoped3A_21 = arith.constant 0 : i32
    "tpu.region"() ({
      %run_scoped3A_44 = tpu.sem_alloc : memref<!tpu.dma_semaphore, #tpu.memory_space<semaphore_mem>>
      %dma_start3A = arith.constant 0 : i32
      %dma_start3A_45 = tpu.memref_slice %arg5[%arg0, %run_scoped3A_21, %mul3A_20, %dma_start3A] : memref<2x2x5120x128xf32, #tpu.memory_space<hbm>> -> memref<1x1x320x128xf32, #tpu.memory_space<hbm>>
      %dma_start3A_46 = tpu.memref_squeeze %dma_start3A_45 : memref<1x1x320x128xf32, #tpu.memory_space<hbm>> -> memref<320x128xf32, #tpu.memory_space<hbm>>
      %dma_start3A_47 = arith.constant 0 : i32
      %dma_start3A_48 = tpu.memref_slice %arg10[%mul3A_18, %dma_start3A_47] : memref<5248x128xf32, #tpu.memory_space<vmem_shared>> -> memref<320x128xf32, #tpu.memory_space<vmem_shared>>
      tpu.enqueue_dma source(%dma_start3A_48 : memref<320x128xf32, #tpu.memory_space<vmem_shared>>) target(%dma_start3A_46 : memref<320x128xf32, #tpu.memory_space<hbm>>) target_semaphore(%run_scoped3A_44 : memref<!tpu.dma_semaphore, #tpu.memory_space<semaphore_mem>>)
      %dma_wait3A = arith.constant 0 : i32
      %dma_wait3A_49 = tpu.memref_slice %arg5[%arg0, %run_scoped3A_21, %mul3A_20, %dma_wait3A] : memref<2x2x5120x128xf32, #tpu.memory_space<hbm>> -> memref<1x1x320x128xf32, #tpu.memory_space<hbm>>
      %dma_wait3A_50 = tpu.memref_squeeze %dma_wait3A_49 : memref<1x1x320x128xf32, #tpu.memory_space<hbm>> -> memref<320x128xf32, #tpu.memory_space<hbm>>
      %dma_wait3A_51 = arith.constant 0 : i32
      %dma_wait3A_52 = tpu.memref_slice %arg10[%mul3A_18, %dma_wait3A_51] : memref<5248x128xf32, #tpu.memory_space<vmem_shared>> -> memref<320x128xf32, #tpu.memory_space<vmem_shared>>
      tpu.wait_dma2 semaphore(%run_scoped3A_44 : memref<!tpu.dma_semaphore, #tpu.memory_space<semaphore_mem>>) src(%dma_wait3A_52 : memref<320x128xf32, #tpu.memory_space<vmem_shared>>) dst(%dma_wait3A_50 : memref<320x128xf32, #tpu.memory_space<hbm>>)
      tpu.yield
    }) : () -> ()
    %mul3A_22 = arith.constant 320 : i32
    %mul3A_23 = arith.muli %arg1, %mul3A_22 : i32
    %add3A_24 = arith.constant 0 : i32
    %add3A_25 = arith.addi %mul3A_23, %add3A_24 : i32
    "tpu.region"() ({
      %run_scoped3A_44 = tpu.sem_alloc : memref<!tpu.dma_semaphore, #tpu.memory_space<semaphore_mem>>
      %dma_start3A = arith.constant 0 : i32
      %dma_start3A_45 = tpu.memref_slice %arg10[%add3A_25, %dma_start3A] : memref<5248x128xf32, #tpu.memory_space<vmem_shared>> -> memref<160x128xf32, #tpu.memory_space<vmem_shared>>
      %dma_start3A_46 = arith.constant 0 : i32
      %dma_start3A_47 = tpu.memref_slice %arg10[%add3A_25, %dma_start3A_46] : memref<5248x128xf32, #tpu.memory_space<vmem_shared>> -> memref<160x128xf32, #tpu.memory_space<vmem_shared>>
      tpu.enqueue_dma source(%arg9 : memref<160x128xf32, #tpu.memory_space<vmem>>) target(%dma_start3A_47 : memref<160x128xf32, #tpu.memory_space<vmem_shared>>) target_semaphore(%run_scoped3A_44 : memref<!tpu.dma_semaphore, #tpu.memory_space<semaphore_mem>>)
      %dma_wait3A = arith.constant 0 : i32
      %dma_wait3A_48 = tpu.memref_slice %arg10[%add3A_25, %dma_wait3A] : memref<5248x128xf32, #tpu.memory_space<vmem_shared>> -> memref<160x128xf32, #tpu.memory_space<vmem_shared>>
      %dma_wait3A_49 = arith.constant 0 : i32
      %dma_wait3A_50 = tpu.memref_slice %arg10[%add3A_25, %dma_wait3A_49] : memref<5248x128xf32, #tpu.memory_space<vmem_shared>> -> memref<160x128xf32, #tpu.memory_space<vmem_shared>>
      tpu.wait_dma2 semaphore(%run_scoped3A_44 : memref<!tpu.dma_semaphore, #tpu.memory_space<semaphore_mem>>) src(%arg9 : memref<160x128xf32, #tpu.memory_space<vmem>>) dst(%dma_wait3A_50 : memref<160x128xf32, #tpu.memory_space<vmem_shared>>)
      tpu.yield
    }) : () -> ()
    %mul3A_26 = arith.constant 320 : i32
    %mul3A_27 = arith.muli %arg1, %mul3A_26 : i32
    %add3A_28 = arith.constant 160 : i32
    %add3A_29 = arith.addi %mul3A_27, %add3A_28 : i32
    "tpu.region"() ({
      %run_scoped3A_44 = tpu.sem_alloc : memref<!tpu.dma_semaphore, #tpu.memory_space<semaphore_mem>>
      %dma_start3A = arith.constant 0 : i32
      %dma_start3A_45 = tpu.memref_slice %arg10[%add3A_29, %dma_start3A] : memref<5248x128xf32, #tpu.memory_space<vmem_shared>> -> memref<160x128xf32, #tpu.memory_space<vmem_shared>>
      %dma_start3A_46 = arith.constant 0 : i32
      %dma_start3A_47 = tpu.memref_slice %arg10[%add3A_29, %dma_start3A_46] : memref<5248x128xf32, #tpu.memory_space<vmem_shared>> -> memref<160x128xf32, #tpu.memory_space<vmem_shared>>
      tpu.enqueue_dma source(%arg9 : memref<160x128xf32, #tpu.memory_space<vmem>>) target(%dma_start3A_47 : memref<160x128xf32, #tpu.memory_space<vmem_shared>>) target_semaphore(%run_scoped3A_44 : memref<!tpu.dma_semaphore, #tpu.memory_space<semaphore_mem>>)
      %dma_wait3A = arith.constant 0 : i32
      %dma_wait3A_48 = tpu.memref_slice %arg10[%add3A_29, %dma_wait3A] : memref<5248x128xf32, #tpu.memory_space<vmem_shared>> -> memref<160x128xf32, #tpu.memory_space<vmem_shared>>
      %dma_wait3A_49 = arith.constant 0 : i32
      %dma_wait3A_50 = tpu.memref_slice %arg10[%add3A_29, %dma_wait3A_49] : memref<5248x128xf32, #tpu.memory_space<vmem_shared>> -> memref<160x128xf32, #tpu.memory_space<vmem_shared>>
      tpu.wait_dma2 semaphore(%run_scoped3A_44 : memref<!tpu.dma_semaphore, #tpu.memory_space<semaphore_mem>>) src(%arg9 : memref<160x128xf32, #tpu.memory_space<vmem>>) dst(%dma_wait3A_50 : memref<160x128xf32, #tpu.memory_space<vmem_shared>>)
      tpu.yield
    }) : () -> ()
    %barrier3A_30 = arith.constant 0 : index
    tpu.barrier barrier_id(%barrier3A_30)
    %run_scoped3A_31 = arith.constant 1 : i32
    "tpu.region"() ({
      %run_scoped3A_44 = tpu.sem_alloc : memref<!tpu.dma_semaphore, #tpu.memory_space<semaphore_mem>>
      %dma_start3A = arith.constant 0 : i32
      %dma_start3A_45 = arith.constant 0 : i32
      %dma_start3A_46 = tpu.memref_slice %arg3[%run_scoped3A_31, %arg0, %arg1, %dma_start3A, %dma_start3A_45] : memref<2x2x16x125x80xi32, #tpu.memory_space<hbm>> -> memref<1x1x1x125x80xi32, #tpu.memory_space<hbm>>
      %dma_start3A_47 = tpu.memref_squeeze %dma_start3A_46 : memref<1x1x1x125x80xi32, #tpu.memory_space<hbm>> -> memref<125x80xi32, #tpu.memory_space<hbm>>
      %dma_start3A_48 = arith.constant 0 : i32
      %dma_start3A_49 = arith.constant 0 : i32
      %dma_start3A_50 = tpu.memref_slice %arg3[%run_scoped3A_31, %arg0, %arg1, %dma_start3A_48, %dma_start3A_49] : memref<2x2x16x125x80xi32, #tpu.memory_space<hbm>> -> memref<1x1x1x125x80xi32, #tpu.memory_space<hbm>>
      %dma_start3A_51 = tpu.memref_squeeze %dma_start3A_50 : memref<1x1x1x125x80xi32, #tpu.memory_space<hbm>> -> memref<125x80xi32, #tpu.memory_space<hbm>>
      tpu.enqueue_dma source(%dma_start3A_51 : memref<125x80xi32, #tpu.memory_space<hbm>>) target(%arg6 : memref<125x80xi32, #tpu.memory_space<vmem>>) target_semaphore(%run_scoped3A_44 : memref<!tpu.dma_semaphore, #tpu.memory_space<semaphore_mem>>)
      %dma_wait3A = arith.constant 0 : i32
      %dma_wait3A_52 = arith.constant 0 : i32
      %dma_wait3A_53 = tpu.memref_slice %arg3[%run_scoped3A_31, %arg0, %arg1, %dma_wait3A, %dma_wait3A_52] : memref<2x2x16x125x80xi32, #tpu.memory_space<hbm>> -> memref<1x1x1x125x80xi32, #tpu.memory_space<hbm>>
      %dma_wait3A_54 = tpu.memref_squeeze %dma_wait3A_53 : memref<1x1x1x125x80xi32, #tpu.memory_space<hbm>> -> memref<125x80xi32, #tpu.memory_space<hbm>>
      %dma_wait3A_55 = arith.constant 0 : i32
      %dma_wait3A_56 = arith.constant 0 : i32
      %dma_wait3A_57 = tpu.memref_slice %arg3[%run_scoped3A_31, %arg0, %arg1, %dma_wait3A_55, %dma_wait3A_56] : memref<2x2x16x125x80xi32, #tpu.memory_space<hbm>> -> memref<1x1x1x125x80xi32, #tpu.memory_space<hbm>>
      %dma_wait3A_58 = tpu.memref_squeeze %dma_wait3A_57 : memref<1x1x1x125x80xi32, #tpu.memory_space<hbm>> -> memref<125x80xi32, #tpu.memory_space<hbm>>
      tpu.wait_dma2 semaphore(%run_scoped3A_44 : memref<!tpu.dma_semaphore, #tpu.memory_space<semaphore_mem>>) src(%dma_wait3A_58 : memref<125x80xi32, #tpu.memory_space<hbm>>) dst(%arg6 : memref<125x80xi32, #tpu.memory_space<vmem>>)
      tpu.yield
    }) : () -> ()
    %run_scoped3A_32 = arith.constant 1 : i32
    "tpu.region"() ({
      %run_scoped3A_44 = tpu.sem_alloc : memref<!tpu.dma_semaphore, #tpu.memory_space<semaphore_mem>>
      %dma_start3A = arith.constant 0 : i32
      %dma_start3A_45 = arith.constant 0 : i32
      %dma_start3A_46 = tpu.memref_slice %arg4[%run_scoped3A_32, %arg1, %dma_start3A, %dma_start3A_45] : memref<2x16x125x80xi32, #tpu.memory_space<hbm>> -> memref<1x1x125x80xi32, #tpu.memory_space<hbm>>
      %dma_start3A_47 = tpu.memref_squeeze %dma_start3A_46 : memref<1x1x125x80xi32, #tpu.memory_space<hbm>> -> memref<125x80xi32, #tpu.memory_space<hbm>>
      %dma_start3A_48 = arith.constant 0 : i32
      %dma_start3A_49 = arith.constant 0 : i32
      %dma_start3A_50 = tpu.memref_slice %arg4[%run_scoped3A_32, %arg1, %dma_start3A_48, %dma_start3A_49] : memref<2x16x125x80xi32, #tpu.memory_space<hbm>> -> memref<1x1x125x80xi32, #tpu.memory_space<hbm>>
      %dma_start3A_51 = tpu.memref_squeeze %dma_start3A_50 : memref<1x1x125x80xi32, #tpu.memory_space<hbm>> -> memref<125x80xi32, #tpu.memory_space<hbm>>
      tpu.enqueue_dma source(%dma_start3A_51 : memref<125x80xi32, #tpu.memory_space<hbm>>) target(%arg7 : memref<125x80xi32, #tpu.memory_space<vmem>>) target_semaphore(%run_scoped3A_44 : memref<!tpu.dma_semaphore, #tpu.memory_space<semaphore_mem>>)
      %dma_wait3A = arith.constant 0 : i32
      %dma_wait3A_52 = arith.constant 0 : i32
      %dma_wait3A_53 = tpu.memref_slice %arg4[%run_scoped3A_32, %arg1, %dma_wait3A, %dma_wait3A_52] : memref<2x16x125x80xi32, #tpu.memory_space<hbm>> -> memref<1x1x125x80xi32, #tpu.memory_space<hbm>>
      %dma_wait3A_54 = tpu.memref_squeeze %dma_wait3A_53 : memref<1x1x125x80xi32, #tpu.memory_space<hbm>> -> memref<125x80xi32, #tpu.memory_space<hbm>>
      %dma_wait3A_55 = arith.constant 0 : i32
      %dma_wait3A_56 = arith.constant 0 : i32
      %dma_wait3A_57 = tpu.memref_slice %arg4[%run_scoped3A_32, %arg1, %dma_wait3A_55, %dma_wait3A_56] : memref<2x16x125x80xi32, #tpu.memory_space<hbm>> -> memref<1x1x125x80xi32, #tpu.memory_space<hbm>>
      %dma_wait3A_58 = tpu.memref_squeeze %dma_wait3A_57 : memref<1x1x125x80xi32, #tpu.memory_space<hbm>> -> memref<125x80xi32, #tpu.memory_space<hbm>>
      tpu.wait_dma2 semaphore(%run_scoped3A_44 : memref<!tpu.dma_semaphore, #tpu.memory_space<semaphore_mem>>) src(%dma_wait3A_58 : memref<125x80xi32, #tpu.memory_space<hbm>>) dst(%arg7 : memref<125x80xi32, #tpu.memory_space<vmem>>)
      tpu.yield
    }) : () -> ()
    %scan3A_33 = arith.constant 0 : i32
    %scan3A_34 = arith.constant 125 : i32
    %scan3A_35 = arith.addi %scan3A_33, %scan3A_34 : i32
    %scan3A_36 = arith.constant 1 : i32
    scf.for %scan3A_44 = %scan3A_33 to %scan3A_35 step %scan3A_36  : i32 {
      %dma_start3A = arith.constant 0 : i32
      %dma_start3A_45 = tpu.memref_slice %arg6[%scan3A_44, %dma_start3A] : memref<125x80xi32, #tpu.memory_space<vmem>> -> memref<1x80xi32, #tpu.memory_space<vmem>>
      %dma_start3A_46 = tpu.memref_squeeze %dma_start3A_45 : memref<1x80xi32, #tpu.memory_space<vmem>> -> memref<80xi32, #tpu.memory_space<vmem>>
      %dma_start3A_47 = arith.constant 0 : i32
      %dma_start3A_48 = arith.constant 0 : i32
      %dma_start3A_49 = tpu.memref_slice %arg2[%dma_start3A_47, %dma_start3A_48] : memref<20000x128xf32, #tpu.memory_space<hbm>> -> memref<20000x128xf32, #tpu.memory_space<hbm>>
      tpu.enqueue_indirect_dma source(%dma_start3A_49 : memref<20000x128xf32, #tpu.memory_space<hbm>>) target(%arg8 : memref<80x128xf32, #tpu.memory_space<vmem>>) offsets(%dma_start3A_46 : memref<80xi32, #tpu.memory_space<vmem>>) semaphore(%arg11 : memref<!tpu.dma_semaphore, #tpu.memory_space<semaphore_mem>>)
      %dma_wait3A = arith.constant 0 : i32
      %dma_wait3A_50 = tpu.memref_slice %arg6[%scan3A_44, %dma_wait3A] : memref<125x80xi32, #tpu.memory_space<vmem>> -> memref<1x80xi32, #tpu.memory_space<vmem>>
      %dma_wait3A_51 = tpu.memref_squeeze %dma_wait3A_50 : memref<1x80xi32, #tpu.memory_space<vmem>> -> memref<80xi32, #tpu.memory_space<vmem>>
      %dma_wait3A_52 = arith.constant 0 : i32
      %dma_wait3A_53 = arith.constant 0 : i32
      %dma_wait3A_54 = tpu.memref_slice %arg2[%dma_wait3A_52, %dma_wait3A_53] : memref<20000x128xf32, #tpu.memory_space<hbm>> -> memref<20000x128xf32, #tpu.memory_space<hbm>>
      tpu.wait_indirect_dma semaphore(%arg11 : memref<!tpu.dma_semaphore, #tpu.memory_space<semaphore_mem>>) src(%dma_wait3A_54 : memref<20000x128xf32, #tpu.memory_space<hbm>>) dst(%arg8 : memref<80x128xf32, #tpu.memory_space<vmem>>)
      "tpu.region"() ({
        %run_scoped3A_55 = tpu.sem_alloc : memref<!tpu.dma_semaphore, #tpu.memory_space<semaphore_mem>>
        %dma_start3A_56 = arith.constant 0 : i32
        %dma_start3A_57 = tpu.memref_slice %arg7[%scan3A_44, %dma_start3A_56] : memref<125x80xi32, #tpu.memory_space<vmem>> -> memref<1x80xi32, #tpu.memory_space<vmem>>
        %dma_start3A_58 = tpu.memref_squeeze %dma_start3A_57 : memref<1x80xi32, #tpu.memory_space<vmem>> -> memref<80xi32, #tpu.memory_space<vmem>>
        %dma_start3A_59 = arith.constant 0 : i32
        %dma_start3A_60 = arith.constant 0 : i32
        %dma_start3A_61 = tpu.memref_slice %arg10[%dma_start3A_59, %dma_start3A_60] : memref<5248x128xf32, #tpu.memory_space<vmem_shared>> -> memref<5248x128xf32, #tpu.memory_space<vmem_shared>>
        tpu.enqueue_indirect_dma source(%arg8 : memref<80x128xf32, #tpu.memory_space<vmem>>) target(%dma_start3A_61 : memref<5248x128xf32, #tpu.memory_space<vmem_shared>>) offsets(%dma_start3A_58 : memref<80xi32, #tpu.memory_space<vmem>>) semaphore(%run_scoped3A_55 : memref<!tpu.dma_semaphore, #tpu.memory_space<semaphore_mem>>) {add = true}
        %dma_wait3A_62 = arith.constant 0 : i32
        %dma_wait3A_63 = tpu.memref_slice %arg7[%scan3A_44, %dma_wait3A_62] : memref<125x80xi32, #tpu.memory_space<vmem>> -> memref<1x80xi32, #tpu.memory_space<vmem>>
        %dma_wait3A_64 = tpu.memref_squeeze %dma_wait3A_63 : memref<1x80xi32, #tpu.memory_space<vmem>> -> memref<80xi32, #tpu.memory_space<vmem>>
        %dma_wait3A_65 = arith.constant 0 : i32
        %dma_wait3A_66 = arith.constant 0 : i32
        %dma_wait3A_67 = tpu.memref_slice %arg10[%dma_wait3A_65, %dma_wait3A_66] : memref<5248x128xf32, #tpu.memory_space<vmem_shared>> -> memref<5248x128xf32, #tpu.memory_space<vmem_shared>>
        tpu.wait_indirect_dma semaphore(%run_scoped3A_55 : memref<!tpu.dma_semaphore, #tpu.memory_space<semaphore_mem>>) src(%arg8 : memref<80x128xf32, #tpu.memory_space<vmem>>) dst(%dma_wait3A_67 : memref<5248x128xf32, #tpu.memory_space<vmem_shared>>)
        tpu.yield
      }) : () -> ()
    }
    %scan3A_37 = arith.constant 125 : i32
    %barrier3A_38 = arith.constant 0 : index
    tpu.barrier barrier_id(%barrier3A_38)
    %mul3A_39 = arith.constant 320 : i32
    %mul3A_40 = arith.muli %arg1, %mul3A_39 : i32
    %mul3A_41 = arith.constant 320 : i32
    %mul3A_42 = arith.muli %arg1, %mul3A_41 : i32
    %run_scoped3A_43 = arith.constant 1 : i32
    "tpu.region"() ({
      %run_scoped3A_44 = tpu.sem_alloc : memref<!tpu.dma_semaphore, #tpu.memory_space<semaphore_mem>>
      %dma_start3A = arith.constant 0 : i32
      %dma_start3A_45 = tpu.memref_slice %arg5[%arg0, %run_scoped3A_43, %mul3A_42, %dma_start3A] : memref<2x2x5120x128xf32, #tpu.memory_space<hbm>> -> memref<1x1x320x128xf32, #tpu.memory_space<hbm>>
      %dma_start3A_46 = tpu.memref_squeeze %dma_start3A_45 : memref<1x1x320x128xf32, #tpu.memory_space<hbm>> -> memref<320x128xf32, #tpu.memory_space<hbm>>
      %dma_start3A_47 = arith.constant 0 : i32
      %dma_start3A_48 = tpu.memref_slice %arg10[%mul3A_40, %dma_start3A_47] : memref<5248x128xf32, #tpu.memory_space<vmem_shared>> -> memref<320x128xf32, #tpu.memory_space<vmem_shared>>
      tpu.enqueue_dma source(%dma_start3A_48 : memref<320x128xf32, #tpu.memory_space<vmem_shared>>) target(%dma_start3A_46 : memref<320x128xf32, #tpu.memory_space<hbm>>) target_semaphore(%run_scoped3A_44 : memref<!tpu.dma_semaphore, #tpu.memory_space<semaphore_mem>>)
      %dma_wait3A = arith.constant 0 : i32
      %dma_wait3A_49 = tpu.memref_slice %arg5[%arg0, %run_scoped3A_43, %mul3A_42, %dma_wait3A] : memref<2x2x5120x128xf32, #tpu.memory_space<hbm>> -> memref<1x1x320x128xf32, #tpu.memory_space<hbm>>
      %dma_wait3A_50 = tpu.memref_squeeze %dma_wait3A_49 : memref<1x1x320x128xf32, #tpu.memory_space<hbm>> -> memref<320x128xf32, #tpu.memory_space<hbm>>
      %dma_wait3A_51 = arith.constant 0 : i32
      %dma_wait3A_52 = tpu.memref_slice %arg10[%mul3A_40, %dma_wait3A_51] : memref<5248x128xf32, #tpu.memory_space<vmem_shared>> -> memref<320x128xf32, #tpu.memory_space<vmem_shared>>
      tpu.wait_dma2 semaphore(%run_scoped3A_44 : memref<!tpu.dma_semaphore, #tpu.memory_space<semaphore_mem>>) src(%dma_wait3A_52 : memref<320x128xf32, #tpu.memory_space<vmem_shared>>) dst(%dma_wait3A_50 : memref<320x128xf32, #tpu.memory_space<hbm>>)
      tpu.yield
    }) : () -> ()
    return
  }
}

module attributes {stable_mosaic.version = 14 : i64} {
  func.func @_mlp_body(%arg0: i32, %arg1: memref<1000x256xf32, #tpu.memory_space<vmem>>, %arg2: memref<1x1000x128xf32, #tpu.memory_space<vmem>>, %arg3: memref<1x1000x128xf32, #tpu.memory_space<vmem>>, %arg4: memref<256x256xf32, #tpu.memory_space<vmem>>, %arg5: memref<1x256xf32, #tpu.memory_space<vmem>>, %arg6: memref<256x256xf32, #tpu.memory_space<vmem>>, %arg7: memref<1x256xf32, #tpu.memory_space<vmem>>, %arg8: memref<1000x256xf32, #tpu.memory_space<vmem>>) attributes {dimension_semantics = [#tpu.dimension_semantics<arbitrary>], iteration_bounds = array<i64: 10>, scalar_prefetch = 0 : i64, scratch_operands = 0 : i64, tpu.core_type = #tpu.core_type<tc>, window_params = [{transform_indices = @transform_0, window_bounds = array<i64: 1000, 256>}, {transform_indices = @transform_1, window_bounds = array<i64: 1, 1000, 128>}, {transform_indices = @transform_2, window_bounds = array<i64: 1, 1000, 128>}, {pipeline_mode = #tpu.pipeline_mode<synchronous>, transform_indices = @transform_3, window_bounds = array<i64: 256, 256>}, {pipeline_mode = #tpu.pipeline_mode<synchronous>, transform_indices = @transform_4, window_bounds = array<i64: 1, 256>}, {pipeline_mode = #tpu.pipeline_mode<synchronous>, transform_indices = @transform_5, window_bounds = array<i64: 256, 256>}, {pipeline_mode = #tpu.pipeline_mode<synchronous>, transform_indices = @transform_6, window_bounds = array<i64: 1, 256>}, {transform_indices = @transform_7, window_bounds = array<i64: 1000, 256>}]} {
    %get3A = arith.constant 0 : index
    %get3A_0 = arith.constant 0 : index
    %get3A_1 = vector.load %arg1[%get3A, %get3A_0] : memref<1000x256xf32, #tpu.memory_space<vmem>>, vector<1000x256xf32>
    %get3A_2 = arith.constant 0 : index
    %get3A_3 = arith.constant 0 : index
    %get3A_4 = arith.constant 0 : index
    %get3A_5 = vector.load %arg2[%get3A_2, %get3A_3, %get3A_4] : memref<1x1000x128xf32, #tpu.memory_space<vmem>>, vector<1x1000x128xf32>
    %get3A_6 = vector.shape_cast %get3A_5 : vector<1x1000x128xf32> to vector<1000x128xf32>
    %get3A_7 = arith.constant 0 : index
    %get3A_8 = arith.constant 0 : index
    %get3A_9 = arith.constant 0 : index
    %get3A_10 = vector.load %arg3[%get3A_7, %get3A_8, %get3A_9] : memref<1x1000x128xf32, #tpu.memory_space<vmem>>, vector<1x1000x128xf32>
    %get3A_11 = vector.shape_cast %get3A_10 : vector<1x1000x128xf32> to vector<1000x128xf32>
    %concatenate3A = tpu.concatenate %get3A_6, %get3A_11 in 1 : vector<1000x128xf32>, vector<1000x128xf32> -> vector<1000x256xf32>
    %add3A = arith.addf %get3A_1, %concatenate3A : vector<1000x256xf32>
    %get3A_12 = arith.constant 0 : index
    %get3A_13 = arith.constant 0 : index
    %get3A_14 = vector.load %arg4[%get3A_12, %get3A_13] : memref<256x256xf32, #tpu.memory_space<vmem>>, vector<256x256xf32>
    %dot_general3A = arith.constant dense<0.000000e+00> : vector<1000x256xf32>
    %dot_general3A_15 = tpu.matmul %add3A, %get3A_14, %dot_general3A {dimension_numbers = #tpu.dot_dimension_numbers<[1], [0], [0], [1], [0, 0, 1, 1], [], []>, transpose_lhs_hint = false} : vector<1000x256xf32>, vector<256x256xf32>, vector<1000x256xf32> -> vector<1000x256xf32>
    %get3A_16 = arith.constant 0 : index
    %get3A_17 = arith.constant 0 : index
    %get3A_18 = vector.load %arg5[%get3A_16, %get3A_17] : memref<1x256xf32, #tpu.memory_space<vmem>>, vector<1x256xf32>
    %add3A_19 = vector.broadcast %get3A_18 : vector<1x256xf32> to vector<1000x256xf32>
    %add3A_20 = arith.addf %dot_general3A_15, %add3A_19 : vector<1000x256xf32>
    %max3A = arith.constant 0.000000e+00 : f32
    %max3A_21 = vector.broadcast %max3A : f32 to vector<1000x256xf32>
    %max3A_22 = arith.maximumf %add3A_20, %max3A_21 : vector<1000x256xf32>
    %get3A_23 = arith.constant 0 : index
    %get3A_24 = arith.constant 0 : index
    %get3A_25 = vector.load %arg6[%get3A_23, %get3A_24] : memref<256x256xf32, #tpu.memory_space<vmem>>, vector<256x256xf32>
    %dot_general3A_26 = arith.constant dense<0.000000e+00> : vector<1000x256xf32>
    %dot_general3A_27 = tpu.matmul %max3A_22, %get3A_25, %dot_general3A_26 {dimension_numbers = #tpu.dot_dimension_numbers<[1], [0], [0], [1], [0, 0, 1, 1], [], []>, transpose_lhs_hint = false} : vector<1000x256xf32>, vector<256x256xf32>, vector<1000x256xf32> -> vector<1000x256xf32>
    %get3A_28 = arith.constant 0 : index
    %get3A_29 = arith.constant 0 : index
    %get3A_30 = vector.load %arg7[%get3A_28, %get3A_29] : memref<1x256xf32, #tpu.memory_space<vmem>>, vector<1x256xf32>
    %add3A_31 = vector.broadcast %get3A_30 : vector<1x256xf32> to vector<1000x256xf32>
    %add3A_32 = arith.addf %dot_general3A_27, %add3A_31 : vector<1000x256xf32>
    %swap3A = arith.constant 0 : index
    %swap3A_33 = arith.constant 0 : index
    %swap3A_34 = vector.load %arg8[%swap3A, %swap3A_33] : memref<1000x256xf32, #tpu.memory_space<vmem>>, vector<1000x256xf32>
    tpu.vector_store %arg8[%swap3A, %swap3A_33], %add3A_32 {strides = array<i32>} : memref<1000x256xf32, #tpu.memory_space<vmem>>, vector<1000x256xf32>,
    return
  }
  func.func @transform_0(%arg0: i32) -> (i32, i32) {
    %c0_i32 = arith.constant 0 : i32
    %c0_i32_0 = arith.constant 0 : i32
    return %arg0, %c0_i32 : i32, i32
  }
  func.func @transform_1(%arg0: i32) -> (i32, i32, i32) {
    %c0_i32 = arith.constant 0 : i32
    %c0_i32_0 = arith.constant 0 : i32
    %c0_i32_1 = arith.constant 0 : i32
    return %c0_i32, %arg0, %c0_i32_0 : i32, i32, i32
  }
  func.func @transform_2(%arg0: i32) -> (i32, i32, i32) {
    %c1_i32 = arith.constant 1 : i32
    %c0_i32 = arith.constant 0 : i32
    %c0_i32_0 = arith.constant 0 : i32
    return %c1_i32, %arg0, %c0_i32 : i32, i32, i32
  }
  func.func @transform_3(%arg0: i32) -> (i32, i32) {
    %c0_i32 = arith.constant 0 : i32
    %c0_i32_0 = arith.constant 0 : i32
    %c0_i32_1 = arith.constant 0 : i32
    return %c0_i32, %c0_i32_0 : i32, i32
  }
  func.func @transform_4(%arg0: i32) -> (i32, i32) {
    %c0_i32 = arith.constant 0 : i32
    %c0_i32_0 = arith.constant 0 : i32
    %c0_i32_1 = arith.constant 0 : i32
    return %c0_i32, %c0_i32_0 : i32, i32
  }
  func.func @transform_5(%arg0: i32) -> (i32, i32) {
    %c0_i32 = arith.constant 0 : i32
    %c0_i32_0 = arith.constant 0 : i32
    %c0_i32_1 = arith.constant 0 : i32
    return %c0_i32, %c0_i32_0 : i32, i32
  }
  func.func @transform_6(%arg0: i32) -> (i32, i32) {
    %c0_i32 = arith.constant 0 : i32
    %c0_i32_0 = arith.constant 0 : i32
    %c0_i32_1 = arith.constant 0 : i32
    return %c0_i32, %c0_i32_0 : i32, i32
  }
  func.func @transform_7(%arg0: i32) -> (i32, i32) {
    %c0_i32 = arith.constant 0 : i32
    %c0_i32_0 = arith.constant 0 : i32
    return %arg0, %c0_i32 : i32, i32
  }
}

</mosaic_0001>

<sc_bundles>
// kernel: kernel.4.cloned.1.call-start
scs
__scs_entry_jumppad:
0x0: {  	(pc) =	sbr.rel $0x88, $3  }
0x1: {  	(tag) =	ssettag $0x0;
	lr =	simm.s32 $0x1  }
0x2: {  	[smem:$0x3F9B] =	sst lr;
	_ =	strace $0xD0000000  }
0x3: {  	_ = 	snop  }
0x4: {  	_ = 	snop  }
0x5: {  	_ = 	snop  }
0x6: {  	_ = 	snop  }
0x7: {  	_ = 	snop  }
__scs_overlays_trampoline_lowered:
0x8: {  	[smem:$0x3FAA] =	sst s0  }
0x9: {  	[smem:$0x3FAB] =	sst s1  }
0xa: {  	[smem:$0x3FAC] =	sst s2  }
0xb: {  	[smem:$0x3FAD] =	sst s3  }
0xc: {  	[smem:$0x3FAE] =	sst s4  }
0xd: {  	[smem:$0x3FAF] =	sst s5  }
0xe: {  	[smem:$0x3FB0] =	sst s6  }
0xf: {  	[smem:$0x3FB1] =	sst s7  }
0x10: {  	[smem:$0x3FB2] =	sst s8  }
0x11: {  	[smem:$0x3FB3] =	sst s9;
	s0 =	simm.s32 @!p0 $0x0  }
0x12: {  	s1 =	sld [smem:$0x3F99];
	s0 =	simm.s32 @p0 $0x1  }
0x13: {  	[smem:$0x3FB4] =	sst s0;
	s0 =	simm.s32 @!p1 $0x0  }
0x14: {  	s2 =	sld [smem:$0x3F98];
	s0 =	simm.s32 @p1 $0x1  }
0x15: {  	[smem:$0x3FB5] =	sst s0;
	s0 =	simm.s32 @!p2 $0x0  }
0x16: {  	s3 =	sld [smem:$0x3FDB];
	s0 =	simm.s32 @p2 $0x1  }
0x17: {  	s4 =	simm.s32 $0x1BF5;
	[smem:$0x3FB7] =	sst s0  }
0x18: {  	s0 =	sld [smem:$0x3F9A];
	_ =	swait.ge [sflag:s4], $0x0  }
0x19: {  	s7 =	sld [smem:$0x3F9B]  }
0x1a: {  	s8 =	sadd.s32 $0xFFFFE003, lr  }
0x1b: {  	s9 =	sadd.s32 $0xFFFFFEF7, lr;
	s5 =	simm.s32 $0xFFFFFFFF;
	p2 =	slt.u32 s8, $0xFFFFF086  }
0x1c: {  	p1 =	slt.u32 s9, $0xF7A;
	s5 =	simm.s32 @!p2 $0x0  }
0x1d: {  	s5 =	simm.s32 @p1 $0x1;
	p0 =	seq.s32 s7, s2  }
0x1e: {  	s7 =	smul.u32 @!p0 $0xF7A, s2;
	p2 =	seq.s32 @!p0 s5, $0x0  }
0x1f: {  	s9 =	smul.u32 $0xF7A, s1;
	s8 =	simm.s32 @!p0 $0x1BF5;
	p2 =	por !p2, p0  }
0x20: {  	[sflag:s8] =	ssyncset.s32 @!p0 $0xFFFFF086;
	s6 =	sadd.s32 @!p0 s3, s7;
	s7 =	simm.s32 @!p0 $0x108  }
0x21: {  	s3 =	sadd.s32 s3, s9;
	s6 =	sadd.s32 @!p0 $0x88, s6;
	s7 =	simm.s32 @p2 $0x1082  }
0x22: {  	[simem:s7], [sflag:s8] =	dma.local @!p0 [hbm:s6], $0xF7A  }
0x23: {  	s9 =	sor.u32 $0xD0000000, s2;
	s6 =	simm.s32 $0x108;
	_ =	swait.ge @!p0 [sflag:s8], $0x0  }
0x24: {  	s3 =	sadd.s32 $0x88, s3;
	s6 =	simm.s32 @!p1 $0x1082;
	[sflag:s4] =	ssyncset.s32 $0xFFFFF086  }
0x25: {  	[simem:s6], [sflag:s4] =	dma.local [hbm:s3], $0xF7A  }
0x26: {  	[smem:$0x3F9B] =	sst s1;
	(tag) =	ssettag s2;
	_ =	strace s9  }
0x27: {  	s1 =	sld [smem:$0x3FAB]  }
0x28: {  	s2 =	sld [smem:$0x3FAC]  }
0x29: {  	s4 =	sld [smem:$0x3FAE]  }
0x2a: {  	p0 =	seq.s32 s5, $0x0;
	s5 =	sld [smem:$0x3FAF]  }
0x2b: {  	s6 =	sld [smem:$0x3FB0]  }
0x2c: {  	s7 =	sld [smem:$0x3FB1]  }
0x2d: {  	s3 =	simm.s32 $0x108;
	s8 =	sld [smem:$0x3FB2]  }
0x2e: {  	s3 =	simm.s32 @!p0 $0x1082;
	s9 =	sld [smem:$0x3FB3]  }
0x2f: {  	lr =	sadd.s32 s0, s3;
	s0 =	sld [smem:$0x3FAA]  }
0x30: {  	s3 =	sld [smem:$0x3FAD]  }
0x31: {  	[smem:$0x3FB6] =	sst s10  }
0x32: {  	s10 =	sld [smem:$0x3FB4];
	_ =	sdelay $0x3  }
0x33: {  	p0 =	seq.s32 s10, $0x1;
	s10 =	sld [smem:$0x3FB6];
	_ =	sdelay $0x3  }
0x34: {  	[smem:$0x3FB6] =	sst s10  }
0x35: {  	s10 =	sld [smem:$0x3FB5];
	_ =	sdelay $0x3  }
0x36: {  	p1 =	seq.s32 s10, $0x1;
	s10 =	sld [smem:$0x3FB6];
	_ =	sdelay $0x3  }
0x37: {  	[smem:$0x3FB6] =	sst s10  }
0x38: {  	s10 =	sld [smem:$0x3FB7]  }
0x39: {  	_ = 	snop;
	(pc) =	sbr.ind lr, $3  }
0x3a: {  	_ = 	snop  }
0x3b: {  	_ = 	snop  }
0x3c: {  	p2 =	seq.s32 s10, $0x1;
	s10 =	sld [smem:$0x3FB6]  }
0x3d: {  	_ =	shalt  }
0x3e: {  	_ =	shalt  }
0x3f: {  	_ =	shalt  }
0x40: {  	_ =	shalt  }
0x41: {  	_ =	shalt  }
0x42: {  	_ =	shalt  }
0x43: {  	_ =	shalt  }
0x44: {  	_ =	shalt  }
0x45: {  	_ =	shalt  }
0x46: {  	_ =	shalt  }
0x47: {  	_ =	shalt  }
0x48: {  	_ =	shalt  }
0x49: {  	_ =	shalt  }
0x4a: {  	_ =	shalt  }
0x4b: {  	_ =	shalt  }
0x4c: {  	_ =	shalt  }
0x4d: {  	_ =	shalt  }
0x4e: {  	_ =	shalt  }
0x4f: {  	_ =	shalt  }
0x50: {  	_ =	shalt  }
0x51: {  	_ =	shalt  }
0x52: {  	_ =	shalt  }
0x53: {  	_ =	shalt  }
0x54: {  	_ =	shalt  }
0x55: {  	_ =	shalt  }
0x56: {  	_ =	shalt  }
0x57: {  	_ =	shalt  }
0x58: {  	_ =	shalt  }
0x59: {  	_ =	shalt  }
0x5a: {  	_ =	shalt  }
0x5b: {  	_ =	shalt  }
0x5c: {  	_ =	shalt  }
0x5d: {  	_ =	shalt  }
0x5e: {  	_ =	shalt  }
0x5f: {  	_ =	shalt  }
0x60: {  	_ =	shalt  }
0x61: {  	_ =	shalt  }
0x62: {  	_ =	shalt  }
0x63: {  	_ =	shalt  }
0x64: {  	_ =	shalt  }
0x65: {  	_ =	shalt  }
0x66: {  	_ =	shalt  }
0x67: {  	_ =	shalt  }
0x68: {  	_ =	shalt  }
0x69: {  	_ =	shalt  }
0x6a: {  	_ =	shalt  }
0x6b: {  	_ =	shalt  }
0x6c: {  	_ =	shalt  }
0x6d: {  	_ =	shalt  }
0x6e: {  	_ =	shalt  }
0x6f: {  	_ =	shalt  }
0x70: {  	_ =	shalt  }
0x71: {  	_ =	shalt  }
0x72: {  	_ =	shalt  }
0x73: {  	_ =	shalt  }
0x74: {  	_ =	shalt  }
0x75: {  	_ =	shalt  }
0x76: {  	_ =	shalt  }
0x77: {  	_ =	shalt  }
0x78: {  	_ =	shalt  }
0x79: {  	_ =	shalt  }
0x7a: {  	_ =	shalt  }
0x7b: {  	_ =	shalt  }
0x7c: {  	_ =	shalt  }
0x7d: {  	_ =	shalt  }
0x7e: {  	_ =	shalt  }
0x7f: {  	_ =	shalt  }
0x80: {  	_ =	shalt  }
0x81: {  	_ =	shalt  }
0x82: {  	_ =	shalt  }
0x83: {  	_ =	shalt  }
0x84: {  	_ =	shalt  }
0x85: {  	_ =	shalt  }
0x86: {  	_ =	shalt  }
0x87: {  	_ =	shalt  }
.Lfunc_end0:
.L_simem_size_0:
called_computation_lowered:
.L_overlay_start_0:
0x88: {  	s2 =	sld [smem:$0x3FD9]  }
0x89: {  	s3 =	sld [smem:$0x3FFE];
	_ =	sdelay $0x1  }
0x8a: {  	s1 =	srdreg.scid  }
0x8b: {  	s0 =	sand.u32 $0x1, s1  }
0x8c: {  	s17 =	sshll.u32 s0, $0xA;
	s2 =	sadd.s32 s3, s2  }
0x8d: {  	s2 =	sadd.s32 s2, s17  }
0x8e: {  	[smem:$0x3FC2] =	sst s2  }
0x8f: {  	_ = 	snop  }
0x90: {  	s2 =	sld [smem:$0x3FD0];
	(tm) =	ssettm $0x1  }
0x91: {  	s18 =	sld [smem:$0x3FFB];
	_ =	sdelay $0x3  }
0x92: {  	_ =	strace s18  }
0x93: {  	s3 =	sld [smem:$0x3FFC];
	_ =	sdelay $0x3  }
0x94: {  	_ =	strace s3  }
0x95: {  	s3 =	sld [smem:$0x3FFD];
	_ =	sdelay $0x3  }
0x96: {  	_ =	strace s3  }
0x97: {  	_ =	strace $0x8FFFFFFF  }
0x98: {  	s19 =	sld [smem:$0x3FDB];
	_ =	sdelay $0x1  }
0x99: {  	s4 =	simm.s32 $_scs_section_size  }
0x9a: {  	s5 =	simm.s32 $_size__tile_overlayer_lowered;
	s6 =	simm.s32 $_tile_overlayer_lowered  }
0x9b: {  	s22 =	simm.s32 $0x1BFF;
	s21 =	sshll.u32 s6, $0x1;
	s3 =	sadd.s32 s4, s19  }
0x9c: {  	s7 =	simm.s32 $0x0;
	s20 =	sshll.u32 s5, $0x1;
	s5 =	sadd.s32 s21, s3  }
0x9d: {  	[timem:s7], [sflag:s22] =	dma.local [hbm:s5], s20  }
0x9e: {  	_ =	swait.ge [sflag:s22], s20  }
0x9f: {  	s4 =	ssub.s32 $0x0, s20;
	[sflag:s22] =	ssyncset.done $0x0  }
0xa0: {  	[sflag:s22] =	ssyncadd.s32 s4;
	_ =	sdelay $0x1  }
0xa1: {  	s23 =	simm.s32 $0x1B8B  }
0xa2: {  	_ =	swait.ge [sflag:s23], $0x1  }
0xa3: {  	[sflag:s23] =	ssyncset.done $0x0  }
0xa4: {  	s25 =	simm.s32 $0x1B8E;
	s24 =	sld [smem:$0x3FFE];
	[sflag:s23] =	ssyncadd.s32 $0xFFFFFFFF  }
0xa5: {  	s26 =	simm.s32 $execute0_lowered;
	[smem:$0x3FD2] =	sst s25  }
0xa6: {  	s5 =	sshll.u32 s26, $0x1;
	_ =	strace $0x80000046;
	[dreg:$0x1] =	wrdreg $0xFFFFFFFF  }
0xa7: {  	s28 =	simm.s32 $_size_execute0_lowered;
	s3 =	sadd.s32 s3, s5;
	[dreg:$0x0] =	wrdreg $0x0  }
0xa8: {  	s5 =	sshll.u32 s28, $0x1;
	[dreg:$0x2] =	wrdreg s3  }
0xa9: {  	[dreg:$0x3] =	wrdreg s5  }
0xaa: {  	[dreg:$0x4] =	wrdreg $0xC0  }
0xab: {  	_ =	task [dreg:s7], $0x5FFFF  }
0xac: {  	[dreg:$0x1] =	wrdreg $0xFFFFFFFF  }
0xad: {  	[dreg:$0x0] =	wrdreg $0x60  }
0xae: {  	[dreg:$0x2] =	wrdreg s2  }
0xaf: {  	[dreg:$0x3] =	wrdreg s24  }
0xb0: {  	[dreg:$0x4] =	wrdreg $0xF8000  }
0xb1: {  	[dreg:$0x5] =	wrdreg $0x9  }
0xb2: {  	_ =	task.clear_ibuf [dreg:s7], $0x6FFFF;
	_ =	strace $0x90000046  }
0xb3: {  	s29 =	simm.s32 $0x9;
	_ =	strace $0x80000048  }
0xb4: {  	_ =	swait.ge [sflag:s29], $0x1  }
0xb5: {  	[sflag:s29] =	ssyncadd.s32 $0xFFFFFFFF  }
0xb6: {  	_ =	strace $0x90000048  }
0xb7: {  	_ =	sfence  }
0xb8: {  	s30 =	sld [smem:$0x0];
	_ =	sdelay $0x2  }
0xb9: {  	s31 =	sshll.u32 s1, $0xD;
	s1 =	sshrl.u32 s1, $0x2  }
0xba: {  	s3 =	sand.u32 $0x4000, s31;
	s1 =	sadd.s32 s1, s30  }
0xbb: {  	s0 =	sor.u32 s3, s0;
	s1 =	sshll.u32 s1, $0x11  }
0xbc: {  	s0 =	sor.u32 s1, s0  }
0xbd: {  	s0 =	sadd.s32 $0x8F2B, s0  }
0xbe: {  	[sflag:s0] =	ssyncadd.remote.s32 $0x1  }
0xbf: {  	_ =	sfence.sel $0xFFFF  }
0xc0: {  	[dreg:$0x0] =	wrdreg $0xFFFFFFFF;
	(pc) =	sbr.abs _section_cstart, $3  }
0xc1: {  	[dreg:$0x1] =	wrdreg $0xFFFFFFFF  }
0xc2: {  	_ =	task.clear_ibuf [dreg:s7], $0x2FFFF;
	_ =	strace $0x9FFFFFFF  }
0xc3: {  	(tm) =	ssettm $0x7FFFFFFF  }
tec
execute0_lowered:
.L_overlay_start_1:
0x0: {  	(tag) =	ssettag $0x1  }
0x1: {  	s1 =	rddreg [dreg:$0x0]  }
0x2: {  	s5 =	rddreg [dreg:$0x1]  }
0x3: {  	s2 =	rddreg [dreg:$0x2]  }
0x4: {  	s0 =	rddreg [dreg:$0x3]  }
0x5: {  	s4 =	simm.s32 $0x0;
	s3 =	srdreg.scid;
	s16 =	simm.s32 $0x4000  }
0x6: {  	s17 =	simm.s32 $0x50;
	s18 =	simm.s32 $0x8000;
	s6 =	sand.u32 $0x1, s3  }
0x7: {  	s19 =	simm.s32 $0x1;
	s3 =	stileid.u32;
	s7 =	smul.u32 $0x140000, s6  }
0x8: {  	[smem:$0x7FF] =	sst s4;
	s8 =	sshll.u32 s6, $0xF;
	s10 =	smul.u32 $0xA000, s3  }
0x9: {  	s9 =	sshll.u32 s3, $0xB;
	_ =	strace $0x80000047;
	s11 =	smul.u32 $0x28000, s3  }
0xa: {  	s6 =	ssub.s32 $0x2, s6;
	s8 =	sor.u32 s9, s8;
	s13 =	sadd.s32 s9, s5  }
0xb: {  	s31 =	sshrl.u32 s6, $0x1;
	s12 =	sadd.s32 s8, s5;
	s7 =	sadd.s32 s10, s7  }
0xc: {  	s30 =	sshrl.u32 s11, $0x2;
	s15 =	ssub.s32 s6, s31;
	s8 =	sadd.s32 $0x1400, s13  }
0xd: {  	s11 =	sadd.s32 $0x9400, s13;
	s7 =	sshrl.u32 s7, $0x3;
	s10 =	sadd.s32 $0x21400, s12  }
0xe: {  	s13 =	smax.u32 s15, $0x1;
	s14 =	sadd.s32 s7, s5;
	s5 =	sadd.s32 s30, s2  }
0xf: {  	s15 =	simm.s32 $0x2;
	s7 =	sadd.s32 $0x11400, s12;
	s6 =	sadd.s32 $0x5000, s5  }
0x10: {  	v0 =	vimm.f32 $0.0e+00;
	s9 =	sadd.s32 $0x31400, s14;
	s12 =	sadd.s32 $0x45400, s14;
	s14 =	simm.s32 $0xA800  }
.LBB2_1:
0x11: {  	s20 =	simm.s32 $0x0;
	s21 =	simm.s32 $0x200  }
.LBB2_2:
0x12: {  	p0 =	sne.s32 s21, $0x13E00;
	[tilespmem:s20+$0xA870] =	vst v0  }
0x13: {  	[tilespmem:s20+$0xA800] =	vst v0  }
0x14: {  	[tilespmem:s20+$0xA810] =	vst v0  }
.Ltmp0:
0x15: {  	[tilespmem:s20+$0xA820] =	vst v0;
	(pc) =	sbr.rel @p0 .LBB2_2-.Ltmp0, $4  }
0x16: {  	[tilespmem:s20+$0xA830] =	vst v0  }
0x17: {  	[tilespmem:s20+$0xA840] =	vst v0  }
0x18: {  	[tilespmem:s20+$0xA850] =	vst v0  }
0x19: {  	[tilespmem:s20+$0xA860] =	vst v0;
	s20 =	sshra.s32 s21, $0x2;
	s21 =	sadd.s32 $0x200, s21  }
0x1a: {  	[tilespmem:s20+$0xA870] =	vst v0  }
0x1b: {  	[tilespmem:s20+$0xA800] =	vst v0  }
0x1c: {  	[tilespmem:s20+$0xA810] =	vst v0  }
0x1d: {  	[tilespmem:s20+$0xA820] =	vst v0  }
0x1e: {  	[tilespmem:s20+$0xA830] =	vst v0  }
0x1f: {  	[tilespmem:s20+$0xA840] =	vst v0  }
0x20: {  	[tilespmem:s20+$0xA850] =	vst v0  }
0x21: {  	[tilespmem:s20+$0xA860] =	vst v0  }
0x22: {  	[spmem:s5] =	stream.linear.scatter [tilespmem:s14], [sflag:$0x2], $0x5000, $0x38;
	[tilespmem:$0x19C00] =	vst v63  }
0x23: {  	_ =	swait.ge [sflag:s15], $0x5000  }
0x24: {  	[sflag:s15] =	ssyncset.done $0x0  }
0x25: {  	[sflag:s15] =	ssyncadd.s32 $0xFFFFB000  }
0x26: {  	[spmem:s6] =	stream.linear.scatter [tilespmem:s14], [sflag:$0x2], $0x5000, $0x38;
	[tilespmem:$0x19C00] =	vst v63  }
0x27: {  	_ =	swait.ge [sflag:s15], $0x5000  }
0x28: {  	[sflag:s15] =	ssyncset.done $0x0  }
0x29: {  	[sflag:s15] =	ssyncadd.s32 $0xFFFFB000  }
0x2a: {  	s29 =	simm.s32 $0x0;
	[bflag:$0x0] =	sbarrier.arrive $0xFFFF  }
0x2b: {  	[tilespmem:s29], [sflag:$0x2] =	stream.linear.gather [hbm4b:s7+s29], $0x3E80, $0x38;
	[tilespmem:$0x19C00] =	vst v63  }
0x2c: {  	_ =	swait.ge [sflag:s15], $0x3E80  }
0x2d: {  	[sflag:s15] =	ssyncset.done $0x0  }
0x2e: {  	[sflag:s15] =	ssyncadd.s32 $0xFFFFC180  }
0x2f: {  	[tilespmem:s16], [sflag:$0x2] =	stream.linear.gather [hbm4b:s8+s29], $0x3E80, $0x38;
	[tilespmem:$0x19C00] =	vst v63  }
0x30: {  	_ =	swait.ge [sflag:s15], $0x3E80  }
0x31: {  	[sflag:s15] =	ssyncset.done $0x0  }
0x32: {  	s30 =	simm.s32 $0x0;
	[sflag:s15] =	ssyncadd.s32 $0xFFFFC180  }
0x33: {  	[tilespmem:s18], [sflag:$0x1] =	stream.indirect.gather [hbm4b:s1+s17], $0x80, s30, s17, $0xb8;
	[tilespmem:$0x19C00] =	vst v63  }
0x34: {  	_ =	swait.ge [sflag:s19], $0x2800  }
0x35: {  	[sflag:s19] =	ssyncset.done $0x0  }
0x36: {  	s31 =	simm.s32 $0x4000;
	[sflag:s19] =	ssyncadd.s32 $0xFFFFD800  }
0x37: {  	[spmem:s2] =	stream.indirect.scatter.add.f32 [tilespmem:s18], [sflag:$0x2], $0x80, s31, s17, $0xb8;
	[tilespmem:$0x19C00] =	vst v63  }
0x38: {  	_ =	swait.ge [sflag:s15], $0x2800  }
0x39: {  	s20 =	simm.s32 $0x200;
	s21 =	simm.s32 $0x400;
	[sflag:s15] =	ssyncset.done $0x0  }
.LBB2_4:
0x3a: {  	s22 =	sshra.s32 s20, $0x2  }
0x3b: {  	[sflag:s15] =	ssyncadd.s32 $0xFFFFD800;
	s20 =	smov.u32 s21;
	s23 =	sadd.s32 $0x200, s21  }
0x3c: {  	[tilespmem:s18], [sflag:$0x1] =	stream.indirect.gather [hbm4b:s1+s17], $0x80, s22, s17, $0xb8;
	[tilespmem:$0x19C00] =	vst v63  }
0x3d: {  	p0 =	sne.s32 s21, $0xF800;
	_ =	swait.ge [sflag:s19], $0x2800  }
.Ltmp1:
0x3e: {  	[sflag:s19] =	ssyncset.done $0x0;
	(pc) =	sbr.rel @p0 .LBB2_4-.Ltmp1, $4  }
0x3f: {  	s21 =	sadd.s32 $0x4000, s22;
	[sflag:s19] =	ssyncadd.s32 $0xFFFFD800  }
0x40: {  	[spmem:s2] =	stream.indirect.scatter.add.f32 [tilespmem:s18], [sflag:$0x2], $0x80, s21, s17, $0xb8;
	[tilespmem:$0x19C00] =	vst v63  }
0x41: {  	_ =	swait.ge [sflag:s15], $0x2800  }
0x42: {  	s21 =	smov.u32 s23;
	[sflag:s15] =	ssyncset.done $0x0  }
0x43: {  	s20 =	sshra.s32 s20, $0x2;
	[sflag:s15] =	ssyncadd.s32 $0xFFFFD800  }
0x44: {  	[tilespmem:s18], [sflag:$0x1] =	stream.indirect.gather [hbm4b:s1+s17], $0x80, s20, s17, $0xb8;
	[tilespmem:$0x19C00] =	vst v63  }
0x45: {  	_ =	swait.ge [sflag:s19], $0x2800  }
0x46: {  	[sflag:s19] =	ssyncset.done $0x0  }
0x47: {  	s20 =	sadd.s32 $0x4000, s20;
	[sflag:s19] =	ssyncadd.s32 $0xFFFFD800  }
0x48: {  	[spmem:s2] =	stream.indirect.scatter.add.f32 [tilespmem:s18], [sflag:$0x2], $0x80, s20, s17, $0xb8;
	[tilespmem:$0x19C00] =	vst v63  }
0x49: {  	_ =	swait.ge [sflag:s15], $0x2800  }
0x4a: {  	[sflag:s15] =	ssyncset.done $0x0  }
0x4b: {  	s29 =	sshll.u32 s3, $0x6;
	[sflag:s15] =	ssyncadd.s32 $0xFFFFD800  }
0x4c: {  	s21 =	sshrl.u32 s5, $0x3;
	s20 =	sor.u32 $0x1C02, s29;
	[bflag:$0x0] =	sbarrier.arrive $0xFFFF  }
0x4d: {  	[hbm:s9], [sflag:s20] =	dma.local [spmem:s21], $0x1400  }
0x4e: {  	_ =	swait.ge [sflag:s15], $0x1400  }
0x4f: {  	[sflag:s15] =	ssyncset.done $0x0  }
0x50: {  	[sflag:s15] =	ssyncadd.s32 $0xFFFFEC00  }
0x51: {  	[spmem:s5] =	stream.linear.scatter [tilespmem:s14], [sflag:$0x2], $0x5000, $0x38;
	[tilespmem:$0x19C00] =	vst v63  }
0x52: {  	_ =	swait.ge [sflag:s15], $0x5000  }
0x53: {  	[sflag:s15] =	ssyncset.done $0x0  }
0x54: {  	[sflag:s15] =	ssyncadd.s32 $0xFFFFB000  }
0x55: {  	[spmem:s6] =	stream.linear.scatter [tilespmem:s14], [sflag:$0x2], $0x5000, $0x38;
	[tilespmem:$0x19C00] =	vst v63  }
0x56: {  	_ =	swait.ge [sflag:s15], $0x5000  }
0x57: {  	[sflag:s15] =	ssyncset.done $0x0  }
0x58: {  	[sflag:s15] =	ssyncadd.s32 $0xFFFFB000  }
0x59: {  	s22 =	simm.s32 $0x0;
	[bflag:$0x0] =	sbarrier.arrive $0xFFFF  }
0x5a: {  	[tilespmem:s22], [sflag:$0x2] =	stream.linear.gather [hbm4b:s10+s22], $0x3E80, $0x38;
	[tilespmem:$0x19C00] =	vst v63  }
0x5b: {  	_ =	swait.ge [sflag:s15], $0x3E80  }
0x5c: {  	[sflag:s15] =	ssyncset.done $0x0  }
0x5d: {  	[sflag:s15] =	ssyncadd.s32 $0xFFFFC180  }
0x5e: {  	[tilespmem:s16], [sflag:$0x2] =	stream.linear.gather [hbm4b:s11+s22], $0x3E80, $0x38;
	[tilespmem:$0x19C00] =	vst v63  }
0x5f: {  	_ =	swait.ge [sflag:s15], $0x3E80  }
0x60: {  	[sflag:s15] =	ssyncset.done $0x0  }
0x61: {  	s30 =	simm.s32 $0x0;
	[sflag:s15] =	ssyncadd.s32 $0xFFFFC180  }
0x62: {  	[tilespmem:s18], [sflag:$0x1] =	stream.indirect.gather [hbm4b:s1+s17], $0x80, s30, s17, $0xb8;
	[tilespmem:$0x19C00] =	vst v63  }
0x63: {  	_ =	swait.ge [sflag:s19], $0x2800  }
0x64: {  	[sflag:s19] =	ssyncset.done $0x0  }
0x65: {  	s31 =	simm.s32 $0x4000;
	[sflag:s19] =	ssyncadd.s32 $0xFFFFD800  }
0x66: {  	[spmem:s2] =	stream.indirect.scatter.add.f32 [tilespmem:s18], [sflag:$0x2], $0x80, s31, s17, $0xb8;
	[tilespmem:$0x19C00] =	vst v63  }
0x67: {  	_ =	swait.ge [sflag:s15], $0x2800  }
0x68: {  	s23 =	simm.s32 $0x400;
	s22 =	simm.s32 $0x200;
	[sflag:s15] =	ssyncset.done $0x0  }
.LBB2_6:
0x69: {  	s24 =	sshra.s32 s22, $0x2  }
0x6a: {  	[sflag:s15] =	ssyncadd.s32 $0xFFFFD800;
	s22 =	smov.u32 s23;
	s25 =	sadd.s32 $0x200, s23  }
0x6b: {  	[tilespmem:s18], [sflag:$0x1] =	stream.indirect.gather [hbm4b:s1+s17], $0x80, s24, s17, $0xb8;
	[tilespmem:$0x19C00] =	vst v63  }
0x6c: {  	p0 =	sne.s32 s23, $0xF800;
	_ =	swait.ge [sflag:s19], $0x2800  }
.Ltmp2:
0x6d: {  	[sflag:s19] =	ssyncset.done $0x0;
	(pc) =	sbr.rel @p0 .LBB2_6-.Ltmp2, $4  }
0x6e: {  	s23 =	sadd.s32 $0x4000, s24;
	[sflag:s19] =	ssyncadd.s32 $0xFFFFD800  }
0x6f: {  	[spmem:s2] =	stream.indirect.scatter.add.f32 [tilespmem:s18], [sflag:$0x2], $0x80, s23, s17, $0xb8;
	[tilespmem:$0x19C00] =	vst v63  }
0x70: {  	_ =	swait.ge [sflag:s15], $0x2800  }
0x71: {  	s23 =	smov.u32 s25;
	[sflag:s15] =	ssyncset.done $0x0  }
0x72: {  	s22 =	sshra.s32 s22, $0x2;
	[sflag:s15] =	ssyncadd.s32 $0xFFFFD800  }
0x73: {  	[tilespmem:s18], [sflag:$0x1] =	stream.indirect.gather [hbm4b:s1+s17], $0x80, s22, s17, $0xb8;
	[tilespmem:$0x19C00] =	vst v63  }
0x74: {  	_ =	swait.ge [sflag:s19], $0x2800  }
0x75: {  	[sflag:s19] =	ssyncset.done $0x0  }
0x76: {  	s22 =	sadd.s32 $0x4000, s22;
	[sflag:s19] =	ssyncadd.s32 $0xFFFFD800  }
0x77: {  	[spmem:s2] =	stream.indirect.scatter.add.f32 [tilespmem:s18], [sflag:$0x2], $0x80, s22, s17, $0xb8;
	[tilespmem:$0x19C00] =	vst v63  }
0x78: {  	_ =	swait.ge [sflag:s15], $0x2800  }
0x79: {  	s4 =	sadd.s32 $0x1, s4;
	[sflag:s15] =	ssyncset.done $0x0  }
0x7a: {  	p0 =	sne.s32 s4, s13;
	[sflag:s15] =	ssyncadd.s32 $0xFFFFD800  }
.Ltmp3:
0x7b: {  	[bflag:$0x0] =	sbarrier.arrive $0xFFFF;
	(pc) =	sbr.rel @p0 .LBB2_1-.Ltmp3, $4  }
0x7c: {  	[hbm:s12], [sflag:s20] =	dma.local [spmem:s21], $0x1400  }
0x7d: {  	_ =	swait.ge [sflag:s15], $0x1400  }
0x7e: {  	[sflag:s15] =	ssyncset.done $0x0  }
0x7f: {  	[sflag:s15] =	ssyncadd.s32 $0xFFFFEC00  }
0x80: {  	_ =	sfence.sel $0x180000  }
0x81: {  	[bflag:$0x0] =	sbarrier.arrive $0xFFFF  }
0x82: {  	p0 =	sne.s32 s3, $0x0;
	_ =	strace $0x90000047  }
0x83: {  	s0 =	sadd.s32 @!p0 $0x100000, s0;
	[bflag:$0x2] =	sbarrier.arrive $0xFFFF  }
0x84: {  	[sflag:s0] =	ssyncadd.tile.s32 @!p0 $0x1;
	_ =	shalt  }
.Lfunc_end2:
_tile_overlayer_lowered:
.L_overlay_start_2:
0x85: {  	(tag) =	ssettag $0x2  }
0x86: {  	s0 =	rddreg [dreg:$0x0];
	s2 =	stileid.u32  }
0x87: {  	s1 =	rddreg [dreg:$0x1];
	p0 =	sne.s32 s2, $0x0  }
0x88: {  	s3 =	rddreg [dreg:$0x2];
	[bflag:$0x3] =	sbarrier.arrive $0xFFFF;
	s2 =	simm.s32 @!p0 $0x1C02  }
0x89: {  	[timem:s3], [sflag:s2] =	dma.local @!p0 [hbm:s0], s1  }
0x8a: {  	s0 =	simm.s32 @!p0 $0x2  }
0x8b: {  	_ =	swait.ge @!p0 [sflag:s0], s1  }
0x8c: {  	s1 =	ssub.s32 @!p0 $0x0, s1;
	[sflag:s0] =	ssyncset.done @!p0 $0x0  }
0x8d: {  	[sflag:s0] =	ssyncadd.s32 @!p0 s1  }
0x8e: {  	[bflag:$0x3] =	sbarrier.arrive $0xFFFF  }
0x8f: {  	_ =	shalt  }

</sc_bundles>
